<compile_context>
chip_gen: v7x
topology: tpu7x:2x2x1
jax: 0.10.2.dev20260603
libtpu: 0.0.44.dev20260713+nightly
codegen_flags: <defaults>
</compile_context>

<pallas_src>
import functools

import jax
import jax.numpy as jnp
from jax import lax
from jax.experimental import pallas as pl
from jax.experimental.pallas import tpu as pltpu
from jax.experimental.pallas import tpu_sc as plsc

E = 16
G = 4
EPG = E // G
K = 2
BLK = 1024

NC = 2
NS = 16
NW = NC * NS
L = 16


def _scores_kernel(w_ref, x_ref, s_ref):
    s_ref[...] = jax.lax.dot_general(
        w_ref[...], x_ref[...], (((1,), (1,)), ((), ())),
        preferred_element_type=jnp.float32)


def _route_kernel(tpw, s_hbm, wout_hbm, iout_hbm, s_v, wo_v, io_v):
    wid = lax.axis_index("s") * NC + lax.axis_index("c")
    base = wid * tpw
    pltpu.sync_copy(s_hbm.at[:, pl.ds(base, tpw)], s_v)

    neg = jnp.full((L,), -jnp.inf, dtype=jnp.float32)

    def maxtree(xs):
        xs = list(xs)
        while len(xs) > 1:
            xs = [jnp.maximum(xs[i], xs[i + 1])
                  for i in range(0, len(xs) - 1, 2)] + (
                      [xs[-1]] if len(xs) % 2 else [])
        return xs[0]

    def sumtree(xs):
        xs = list(xs)
        while len(xs) > 1:
            xs = [xs[i] + xs[i + 1]
                  for i in range(0, len(xs) - 1, 2)] + (
                      [xs[-1]] if len(xs) % 2 else [])
        return xs[0]

    def argmaxtree(vals, idxs):
        vs, ids = list(vals), list(idxs)
        while len(vs) > 1:
            nv, ni = [], []
            for i in range(0, len(vs) - 1, 2):
                take = vs[i] >= vs[i + 1]
                nv.append(jnp.where(take, vs[i], vs[i + 1]))
                ni.append(jnp.where(take, ids[i], ids[i + 1]))
            if len(vs) % 2:
                nv.append(vs[-1])
                ni.append(ids[-1])
            vs, ids = nv, ni
        return vs[0], ids[0]

    UNROLL = 2

    def body(t, carry):
        for u in range(UNROLL):
            _group(pl.multiple_of(t * (UNROLL * L) + u * L, L))
        return carry

    def _group(off):
        vs = [s_v[e, pl.ds(off, L)] for e in range(E)]
        m = maxtree(vs)
        ex = [jnp.exp(v - m) for v in vs]
        s = sumtree(ex)
        p = [v / s for v in ex]
        gs = [maxtree(p[g * EPG:(g + 1) * EPG]) for g in range(G)]
        gconst = [jnp.full((L,), g, dtype=jnp.int32) for g in range(G)]
        _, g1 = argmaxtree(gs, gconst)
        gs2 = [jnp.where(g1 == gconst[g], neg, gs[g]) for g in range(G)]
        _, g2 = argmaxtree(gs2, gconst)
        sel = []
        for e in range(E):
            ge = gconst[e // EPG]
            allowed = (g1 == ge) | (g2 == ge)
            sel.append(jnp.where(allowed, p[e], neg))
        econst = [jnp.full((L,), e, dtype=jnp.int32) for e in range(E)]
        m1, i1 = argmaxtree(sel, econst)
        sel2 = [jnp.where(i1 == econst[e], neg, sel[e]) for e in range(E)]
        m2, i2 = argmaxtree(sel2, econst)
        wo_v[0, pl.ds(off, L)] = m1
        wo_v[1, pl.ds(off, L)] = m2
        io_v[0, pl.ds(off, L)] = i1
        io_v[1, pl.ds(off, L)] = i2

    lax.fori_loop(0, tpw // (UNROLL * L), body, 0)
    pltpu.sync_copy(wo_v, wout_hbm.at[:, pl.ds(base, tpw)])
    pltpu.sync_copy(io_v, iout_hbm.at[:, pl.ds(base, tpw)])


@jax.jit
def kernel(x, W):
    n, d = x.shape
    scores_t = pl.pallas_call(
        _scores_kernel,
        grid=(n // BLK,),
        in_specs=[pl.BlockSpec((E, d), lambda i: (0, 0)),
                  pl.BlockSpec((BLK, d), lambda i: (i, 0))],
        out_specs=pl.BlockSpec((E, BLK), lambda i: (0, i)),
        out_shape=jax.ShapeDtypeStruct((E, n), jnp.float32),
    )(W, x)

    tpw = n // NW
    route = pl.kernel(
        functools.partial(_route_kernel, tpw),
        out_type=[jax.ShapeDtypeStruct((K, n), jnp.float32),
                  jax.ShapeDtypeStruct((K, n), jnp.int32)],
        mesh=plsc.VectorSubcoreMesh(core_axis_name="c", subcore_axis_name="s"),
        scratch_types=[pltpu.VMEM((E, tpw), jnp.float32),
                       pltpu.VMEM((K, tpw), jnp.float32),
                       pltpu.VMEM((K, tpw), jnp.int32)],
    )
    wout, iout = route(scores_t)
    return wout.T, iout.T

# --- scband reference (transcript-rebuilt; emitter-appended) ---
"""Pipeline reference for scband-gate-65060164600304 (READ-ONLY COPY).

The authoritative reference and input builder live on the scoring server;
editing this copy changes nothing except your own understanding.
"""

import jax, jax.numpy as jnp
import numpy as np

DIM = 2048
E = 16
K = 2
G = 4
LG = 2
EPG = E // G
ROUTE_SCALE = 1.0
N_TOK = 32768


def setup_inputs(seed: int = 0) -> dict:
    key = jax.random.key(seed)
    k1, k2 = jax.random.split(key)
    x = jax.random.normal(k1, (N_TOK, DIM), dtype=jnp.float32)
    # gate weight, kaiming-uniform-like scale
    bound = 1.0 / np.sqrt(DIM)
    W = jax.random.uniform(k2, (E, DIM), dtype=jnp.float32, minval=-bound, maxval=bound)
    return {"x": x, "W": W}


def reference(x, W):
    # scores = F.linear(x, weight)
    scores = x @ W.T
    # score_func == 'softmax'
    scores = jax.nn.softmax(scores, axis=-1)
    # eval path: expert_bias is zeros, so selection scores == scores
    sel = scores
    # group-limited routing: n_expert_groups > 1 and n_limited_groups < n_expert_groups
    n = sel.shape[0]
    grouped = sel.reshape(n, G, EPG)
    group_scores = jnp.max(grouped, axis=-1)
    _, top_groups = jax.lax.top_k(group_scores, LG)
    group_mask = jnp.zeros((n, G), dtype=bool).at[jnp.arange(n)[:, None], top_groups].set(True)
    mask = jnp.repeat(group_mask, EPG, axis=1)
    sel = jnp.where(mask, sel, -jnp.inf)
    topk_w, topk_idx = jax.lax.top_k(sel, K)
    weights = jnp.take_along_axis(scores, topk_idx, axis=-1)
    weights = weights * ROUTE_SCALE
    return weights, topk_idx

if __name__ == "__main__":
    import jax
    _d = setup_inputs()
    print(jax.jit(kernel)(*tuple(_d.values())))

</pallas_src>

<mosaic_0001>
#map = affine_map<(d0, d1) -> (0, 0)>
module attributes {stable_mosaic.version = 14 : i64} {
  func.func @_route_kernel(%arg0: i32, %arg1: i32, %arg2: memref<16x32768xf32, #tpu.memory_space<hbm>>, %arg3: memref<2x32768xf32, #tpu.memory_space<hbm>>, %arg4: memref<2x32768xi32, #tpu.memory_space<hbm>>, %arg5: memref<16x1024xf32, #tpu.memory_space<vmem>>, %arg6: memref<2x1024xf32, #tpu.memory_space<vmem>>, %arg7: memref<2x1024xi32, #tpu.memory_space<vmem>>) attributes {dimension_semantics = [#tpu.dimension_semantics<core_parallel>, #tpu.dimension_semantics<subcore_parallel>], iteration_bounds = array<i64: 2, 16>, scalar_prefetch = 0 : i64, scratch_operands = 3 : i64, tpu.core_type = #tpu.core_type<sc_vector_subcore>, window_params = [{transform_indices = #map}, {transform_indices = #map}, {transform_indices = #map}]} {
    %mul3A = arith.constant 2 : i32
    %mul3A_0 = arith.muli %arg1, %mul3A : i32
    %add3A = arith.addi %mul3A_0, %arg0 : i32
    %mul3A_1 = arith.constant 1024 : i32
    %mul3A_2 = arith.muli %add3A, %mul3A_1 : i32
    "tpu.region"() ({
      %run_scoped3A = tpu.sem_alloc : memref<!tpu.dma_semaphore, #tpu.memory_space<semaphore_mem>>
      %dma_start3A = arith.constant 0 : i32
      %dma_start3A_9 = tpu.memref_slice %arg2[%dma_start3A, %mul3A_2] : memref<16x32768xf32, #tpu.memory_space<hbm>> -> memref<16x1024xf32, #tpu.memory_space<hbm>>
      %dma_start3A_10 = arith.constant 0 : i32
      %dma_start3A_11 = tpu.memref_slice %arg2[%dma_start3A_10, %mul3A_2] : memref<16x32768xf32, #tpu.memory_space<hbm>> -> memref<16x1024xf32, #tpu.memory_space<hbm>>
      tpu.enqueue_dma source(%dma_start3A_11 : memref<16x1024xf32, #tpu.memory_space<hbm>>) target(%arg5 : memref<16x1024xf32, #tpu.memory_space<vmem>>) target_semaphore(%run_scoped3A : memref<!tpu.dma_semaphore, #tpu.memory_space<semaphore_mem>>)
      %dma_wait3A = arith.constant 0 : i32
      %dma_wait3A_12 = tpu.memref_slice %arg2[%dma_wait3A, %mul3A_2] : memref<16x32768xf32, #tpu.memory_space<hbm>> -> memref<16x1024xf32, #tpu.memory_space<hbm>>
      %dma_wait3A_13 = arith.constant 0 : i32
      %dma_wait3A_14 = tpu.memref_slice %arg2[%dma_wait3A_13, %mul3A_2] : memref<16x32768xf32, #tpu.memory_space<hbm>> -> memref<16x1024xf32, #tpu.memory_space<hbm>>
      tpu.wait_dma2 semaphore(%run_scoped3A : memref<!tpu.dma_semaphore, #tpu.memory_space<semaphore_mem>>) src(%dma_wait3A_14 : memref<16x1024xf32, #tpu.memory_space<hbm>>) dst(%arg5 : memref<16x1024xf32, #tpu.memory_space<vmem>>)
      tpu.yield
    }) : () -> ()
    %broadcast_in_dim3A = arith.constant 0xFF800000 : f32
    %broadcast_in_dim3A_3 = vector.broadcast %broadcast_in_dim3A : f32 to vector<16xf32>
    %scan3A = arith.constant 0 : i32
    %scan3A_4 = arith.constant 0 : i32
    %scan3A_5 = arith.constant 32 : i32
    %scan3A_6 = arith.addi %scan3A_4, %scan3A_5 : i32
    %scan3A_7 = arith.constant 1 : i32
    scf.for %scan3A_9 = %scan3A_4 to %scan3A_6 step %scan3A_7  : i32 {
      %mul3A_10 = arith.constant 32 : i32
      %mul3A_11 = arith.muli %scan3A_9, %mul3A_10 : i32
      %add3A_12 = arith.constant 0 : i32
      %add3A_13 = arith.addi %mul3A_11, %add3A_12 : i32
      %multiple_of3A = tpu.assume_multiple %add3A_13, 16 : i32
      %get3A = arith.constant 0 : i32
      %get3A_14 = arith.index_cast %get3A : i32 to index
      %get3A_15 = arith.index_cast %multiple_of3A : i32 to index
      %get3A_16 = tpu.vector_load %arg5[%get3A_14, %get3A_15] {strides = array<i32>} : memref<16x1024xf32, #tpu.memory_space<vmem>>, vector<1x16xf32>,
      %get3A_17 = vector.shape_cast %get3A_16 : vector<1x16xf32> to vector<16xf32>
      %get3A_18 = arith.constant 1 : i32
      %get3A_19 = arith.index_cast %get3A_18 : i32 to index
      %get3A_20 = arith.index_cast %multiple_of3A : i32 to index
      %get3A_21 = tpu.vector_load %arg5[%get3A_19, %get3A_20] {strides = array<i32>} : memref<16x1024xf32, #tpu.memory_space<vmem>>, vector<1x16xf32>,
      %get3A_22 = vector.shape_cast %get3A_21 : vector<1x16xf32> to vector<16xf32>
      %get3A_23 = arith.constant 2 : i32
      %get3A_24 = arith.index_cast %get3A_23 : i32 to index
      %get3A_25 = arith.index_cast %multiple_of3A : i32 to index
      %get3A_26 = tpu.vector_load %arg5[%get3A_24, %get3A_25] {strides = array<i32>} : memref<16x1024xf32, #tpu.memory_space<vmem>>, vector<1x16xf32>,
      %get3A_27 = vector.shape_cast %get3A_26 : vector<1x16xf32> to vector<16xf32>
      %get3A_28 = arith.constant 3 : i32
      %get3A_29 = arith.index_cast %get3A_28 : i32 to index
      %get3A_30 = arith.index_cast %multiple_of3A : i32 to index
      %get3A_31 = tpu.vector_load %arg5[%get3A_29, %get3A_30] {strides = array<i32>} : memref<16x1024xf32, #tpu.memory_space<vmem>>, vector<1x16xf32>,
      %get3A_32 = vector.shape_cast %get3A_31 : vector<1x16xf32> to vector<16xf32>
      %get3A_33 = arith.constant 4 : i32
      %get3A_34 = arith.index_cast %get3A_33 : i32 to index
      %get3A_35 = arith.index_cast %multiple_of3A : i32 to index
      %get3A_36 = tpu.vector_load %arg5[%get3A_34, %get3A_35] {strides = array<i32>} : memref<16x1024xf32, #tpu.memory_space<vmem>>, vector<1x16xf32>,
      %get3A_37 = vector.shape_cast %get3A_36 : vector<1x16xf32> to vector<16xf32>
      %get3A_38 = arith.constant 5 : i32
      %get3A_39 = arith.index_cast %get3A_38 : i32 to index
      %get3A_40 = arith.index_cast %multiple_of3A : i32 to index
      %get3A_41 = tpu.vector_load %arg5[%get3A_39, %get3A_40] {strides = array<i32>} : memref<16x1024xf32, #tpu.memory_space<vmem>>, vector<1x16xf32>,
      %get3A_42 = vector.shape_cast %get3A_41 : vector<1x16xf32> to vector<16xf32>
      %get3A_43 = arith.constant 6 : i32
      %get3A_44 = arith.index_cast %get3A_43 : i32 to index
      %get3A_45 = arith.index_cast %multiple_of3A : i32 to index
      %get3A_46 = tpu.vector_load %arg5[%get3A_44, %get3A_45] {strides = array<i32>} : memref<16x1024xf32, #tpu.memory_space<vmem>>, vector<1x16xf32>,
      %get3A_47 = vector.shape_cast %get3A_46 : vector<1x16xf32> to vector<16xf32>
      %get3A_48 = arith.constant 7 : i32
      %get3A_49 = arith.index_cast %get3A_48 : i32 to index
      %get3A_50 = arith.index_cast %multiple_of3A : i32 to index
      %get3A_51 = tpu.vector_load %arg5[%get3A_49, %get3A_50] {strides = array<i32>} : memref<16x1024xf32, #tpu.memory_space<vmem>>, vector<1x16xf32>,
      %get3A_52 = vector.shape_cast %get3A_51 : vector<1x16xf32> to vector<16xf32>
      %get3A_53 = arith.constant 8 : i32
      %get3A_54 = arith.index_cast %get3A_53 : i32 to index
      %get3A_55 = arith.index_cast %multiple_of3A : i32 to index
      %get3A_56 = tpu.vector_load %arg5[%get3A_54, %get3A_55] {strides = array<i32>} : memref<16x1024xf32, #tpu.memory_space<vmem>>, vector<1x16xf32>,
      %get3A_57 = vector.shape_cast %get3A_56 : vector<1x16xf32> to vector<16xf32>
      %get3A_58 = arith.constant 9 : i32
      %get3A_59 = arith.index_cast %get3A_58 : i32 to index
      %get3A_60 = arith.index_cast %multiple_of3A : i32 to index
      %get3A_61 = tpu.vector_load %arg5[%get3A_59, %get3A_60] {strides = array<i32>} : memref<16x1024xf32, #tpu.memory_space<vmem>>, vector<1x16xf32>,
      %get3A_62 = vector.shape_cast %get3A_61 : vector<1x16xf32> to vector<16xf32>
      %get3A_63 = arith.constant 10 : i32
      %get3A_64 = arith.index_cast %get3A_63 : i32 to index
      %get3A_65 = arith.index_cast %multiple_of3A : i32 to index
      %get3A_66 = tpu.vector_load %arg5[%get3A_64, %get3A_65] {strides = array<i32>} : memref<16x1024xf32, #tpu.memory_space<vmem>>, vector<1x16xf32>,
      %get3A_67 = vector.shape_cast %get3A_66 : vector<1x16xf32> to vector<16xf32>
      %get3A_68 = arith.constant 11 : i32
      %get3A_69 = arith.index_cast %get3A_68 : i32 to index
      %get3A_70 = arith.index_cast %multiple_of3A : i32 to index
      %get3A_71 = tpu.vector_load %arg5[%get3A_69, %get3A_70] {strides = array<i32>} : memref<16x1024xf32, #tpu.memory_space<vmem>>, vector<1x16xf32>,
      %get3A_72 = vector.shape_cast %get3A_71 : vector<1x16xf32> to vector<16xf32>
      %get3A_73 = arith.constant 12 : i32
      %get3A_74 = arith.index_cast %get3A_73 : i32 to index
      %get3A_75 = arith.index_cast %multiple_of3A : i32 to index
      %get3A_76 = tpu.vector_load %arg5[%get3A_74, %get3A_75] {strides = array<i32>} : memref<16x1024xf32, #tpu.memory_space<vmem>>, vector<1x16xf32>,
      %get3A_77 = vector.shape_cast %get3A_76 : vector<1x16xf32> to vector<16xf32>
      %get3A_78 = arith.constant 13 : i32
      %get3A_79 = arith.index_cast %get3A_78 : i32 to index
      %get3A_80 = arith.index_cast %multiple_of3A : i32 to index
      %get3A_81 = tpu.vector_load %arg5[%get3A_79, %get3A_80] {strides = array<i32>} : memref<16x1024xf32, #tpu.memory_space<vmem>>, vector<1x16xf32>,
      %get3A_82 = vector.shape_cast %get3A_81 : vector<1x16xf32> to vector<16xf32>
      %get3A_83 = arith.constant 14 : i32
      %get3A_84 = arith.index_cast %get3A_83 : i32 to index
      %get3A_85 = arith.index_cast %multiple_of3A : i32 to index
      %get3A_86 = tpu.vector_load %arg5[%get3A_84, %get3A_85] {strides = array<i32>} : memref<16x1024xf32, #tpu.memory_space<vmem>>, vector<1x16xf32>,
      %get3A_87 = vector.shape_cast %get3A_86 : vector<1x16xf32> to vector<16xf32>
      %get3A_88 = arith.constant 15 : i32
      %get3A_89 = arith.index_cast %get3A_88 : i32 to index
      %get3A_90 = arith.index_cast %multiple_of3A : i32 to index
      %get3A_91 = tpu.vector_load %arg5[%get3A_89, %get3A_90] {strides = array<i32>} : memref<16x1024xf32, #tpu.memory_space<vmem>>, vector<1x16xf32>,
      %get3A_92 = vector.shape_cast %get3A_91 : vector<1x16xf32> to vector<16xf32>
      %max3A = arith.maximumf %get3A_17, %get3A_22 : vector<16xf32>
      %max3A_93 = arith.maximumf %get3A_27, %get3A_32 : vector<16xf32>
      %max3A_94 = arith.maximumf %get3A_37, %get3A_42 : vector<16xf32>
      %max3A_95 = arith.maximumf %get3A_47, %get3A_52 : vector<16xf32>
      %max3A_96 = arith.maximumf %get3A_57, %get3A_62 : vector<16xf32>
      %max3A_97 = arith.maximumf %get3A_67, %get3A_72 : vector<16xf32>
      %max3A_98 = arith.maximumf %get3A_77, %get3A_82 : vector<16xf32>
      %max3A_99 = arith.maximumf %get3A_87, %get3A_92 : vector<16xf32>
      %max3A_100 = arith.maximumf %max3A, %max3A_93 : vector<16xf32>
      %max3A_101 = arith.maximumf %max3A_94, %max3A_95 : vector<16xf32>
      %max3A_102 = arith.maximumf %max3A_96, %max3A_97 : vector<16xf32>
      %max3A_103 = arith.maximumf %max3A_98, %max3A_99 : vector<16xf32>
      %max3A_104 = arith.maximumf %max3A_100, %max3A_101 : vector<16xf32>
      %max3A_105 = arith.maximumf %max3A_102, %max3A_103 : vector<16xf32>
      %max3A_106 = arith.maximumf %max3A_104, %max3A_105 : vector<16xf32>
      %sub3A = arith.subf %get3A_17, %max3A_106 : vector<16xf32>
      %exp3A = math.exp %sub3A : vector<16xf32>
      %sub3A_107 = arith.subf %get3A_22, %max3A_106 : vector<16xf32>
      %exp3A_108 = math.exp %sub3A_107 : vector<16xf32>
      %sub3A_109 = arith.subf %get3A_27, %max3A_106 : vector<16xf32>
      %exp3A_110 = math.exp %sub3A_109 : vector<16xf32>
      %sub3A_111 = arith.subf %get3A_32, %max3A_106 : vector<16xf32>
      %exp3A_112 = math.exp %sub3A_111 : vector<16xf32>
      %sub3A_113 = arith.subf %get3A_37, %max3A_106 : vector<16xf32>
      %exp3A_114 = math.exp %sub3A_113 : vector<16xf32>
      %sub3A_115 = arith.subf %get3A_42, %max3A_106 : vector<16xf32>
      %exp3A_116 = math.exp %sub3A_115 : vector<16xf32>
      %sub3A_117 = arith.subf %get3A_47, %max3A_106 : vector<16xf32>
      %exp3A_118 = math.exp %sub3A_117 : vector<16xf32>
      %sub3A_119 = arith.subf %get3A_52, %max3A_106 : vector<16xf32>
      %exp3A_120 = math.exp %sub3A_119 : vector<16xf32>
      %sub3A_121 = arith.subf %get3A_57, %max3A_106 : vector<16xf32>
      %exp3A_122 = math.exp %sub3A_121 : vector<16xf32>
      %sub3A_123 = arith.subf %get3A_62, %max3A_106 : vector<16xf32>
      %exp3A_124 = math.exp %sub3A_123 : vector<16xf32>
      %sub3A_125 = arith.subf %get3A_67, %max3A_106 : vector<16xf32>
      %exp3A_126 = math.exp %sub3A_125 : vector<16xf32>
      %sub3A_127 = arith.subf %get3A_72, %max3A_106 : vector<16xf32>
      %exp3A_128 = math.exp %sub3A_127 : vector<16xf32>
      %sub3A_129 = arith.subf %get3A_77, %max3A_106 : vector<16xf32>
      %exp3A_130 = math.exp %sub3A_129 : vector<16xf32>
      %sub3A_131 = arith.subf %get3A_82, %max3A_106 : vector<16xf32>
      %exp3A_132 = math.exp %sub3A_131 : vector<16xf32>
      %sub3A_133 = arith.subf %get3A_87, %max3A_106 : vector<16xf32>
      %exp3A_134 = math.exp %sub3A_133 : vector<16xf32>
      %sub3A_135 = arith.subf %get3A_92, %max3A_106 : vector<16xf32>
      %exp3A_136 = math.exp %sub3A_135 : vector<16xf32>
      %add3A_137 = arith.addf %exp3A, %exp3A_108 : vector<16xf32>
      %add3A_138 = arith.addf %exp3A_110, %exp3A_112 : vector<16xf32>
      %add3A_139 = arith.addf %exp3A_114, %exp3A_116 : vector<16xf32>
      %add3A_140 = arith.addf %exp3A_118, %exp3A_120 : vector<16xf32>
      %add3A_141 = arith.addf %exp3A_122, %exp3A_124 : vector<16xf32>
      %add3A_142 = arith.addf %exp3A_126, %exp3A_128 : vector<16xf32>
      %add3A_143 = arith.addf %exp3A_130, %exp3A_132 : vector<16xf32>
      %add3A_144 = arith.addf %exp3A_134, %exp3A_136 : vector<16xf32>
      %add3A_145 = arith.addf %add3A_137, %add3A_138 : vector<16xf32>
      %add3A_146 = arith.addf %add3A_139, %add3A_140 : vector<16xf32>
      %add3A_147 = arith.addf %add3A_141, %add3A_142 : vector<16xf32>
      %add3A_148 = arith.addf %add3A_143, %add3A_144 : vector<16xf32>
      %add3A_149 = arith.addf %add3A_145, %add3A_146 : vector<16xf32>
      %add3A_150 = arith.addf %add3A_147, %add3A_148 : vector<16xf32>
      %add3A_151 = arith.addf %add3A_149, %add3A_150 : vector<16xf32>
      %div3A = arith.divf %exp3A, %add3A_151 : vector<16xf32>
      %div3A_152 = arith.divf %exp3A_108, %add3A_151 : vector<16xf32>
      %div3A_153 = arith.divf %exp3A_110, %add3A_151 : vector<16xf32>
      %div3A_154 = arith.divf %exp3A_112, %add3A_151 : vector<16xf32>
      %div3A_155 = arith.divf %exp3A_114, %add3A_151 : vector<16xf32>
      %div3A_156 = arith.divf %exp3A_116, %add3A_151 : vector<16xf32>
      %div3A_157 = arith.divf %exp3A_118, %add3A_151 : vector<16xf32>
      %div3A_158 = arith.divf %exp3A_120, %add3A_151 : vector<16xf32>
      %div3A_159 = arith.divf %exp3A_122, %add3A_151 : vector<16xf32>
      %div3A_160 = arith.divf %exp3A_124, %add3A_151 : vector<16xf32>
      %div3A_161 = arith.divf %exp3A_126, %add3A_151 : vector<16xf32>
      %div3A_162 = arith.divf %exp3A_128, %add3A_151 : vector<16xf32>
      %div3A_163 = arith.divf %exp3A_130, %add3A_151 : vector<16xf32>
      %div3A_164 = arith.divf %exp3A_132, %add3A_151 : vector<16xf32>
      %div3A_165 = arith.divf %exp3A_134, %add3A_151 : vector<16xf32>
      %div3A_166 = arith.divf %exp3A_136, %add3A_151 : vector<16xf32>
      %max3A_167 = arith.maximumf %div3A, %div3A_152 : vector<16xf32>
      %max3A_168 = arith.maximumf %div3A_153, %div3A_154 : vector<16xf32>
      %max3A_169 = arith.maximumf %max3A_167, %max3A_168 : vector<16xf32>
      %max3A_170 = arith.maximumf %div3A_155, %div3A_156 : vector<16xf32>
      %max3A_171 = arith.maximumf %div3A_157, %div3A_158 : vector<16xf32>
      %max3A_172 = arith.maximumf %max3A_170, %max3A_171 : vector<16xf32>
      %max3A_173 = arith.maximumf %div3A_159, %div3A_160 : vector<16xf32>
      %max3A_174 = arith.maximumf %div3A_161, %div3A_162 : vector<16xf32>
      %max3A_175 = arith.maximumf %max3A_173, %max3A_174 : vector<16xf32>
      %max3A_176 = arith.maximumf %div3A_163, %div3A_164 : vector<16xf32>
      %max3A_177 = arith.maximumf %div3A_165, %div3A_166 : vector<16xf32>
      %max3A_178 = arith.maximumf %max3A_176, %max3A_177 : vector<16xf32>
      %broadcast_in_dim3A_179 = arith.constant 0 : i32
      %broadcast_in_dim3A_180 = vector.broadcast %broadcast_in_dim3A_179 : i32 to vector<16xi32>
      %broadcast_in_dim3A_181 = arith.constant 1 : i32
      %broadcast_in_dim3A_182 = vector.broadcast %broadcast_in_dim3A_181 : i32 to vector<16xi32>
      %broadcast_in_dim3A_183 = arith.constant 2 : i32
      %broadcast_in_dim3A_184 = vector.broadcast %broadcast_in_dim3A_183 : i32 to vector<16xi32>
      %broadcast_in_dim3A_185 = arith.constant 3 : i32
      %broadcast_in_dim3A_186 = vector.broadcast %broadcast_in_dim3A_185 : i32 to vector<16xi32>
      %ge3A = arith.cmpf oge, %max3A_169, %max3A_172 : vector<16xf32>
      %select_n3A = arith.select %ge3A, %max3A_169, %max3A_172 : vector<16xi1>, vector<16xf32>
      %select_n3A_187 = arith.select %ge3A, %broadcast_in_dim3A_180, %broadcast_in_dim3A_182 : vector<16xi1>, vector<16xi32>
      %ge3A_188 = arith.cmpf oge, %max3A_175, %max3A_178 : vector<16xf32>
      %select_n3A_189 = arith.select %ge3A_188, %max3A_175, %max3A_178 : vector<16xi1>, vector<16xf32>
      %select_n3A_190 = arith.select %ge3A_188, %broadcast_in_dim3A_184, %broadcast_in_dim3A_186 : vector<16xi1>, vector<16xi32>
      %ge3A_191 = arith.cmpf oge, %select_n3A, %select_n3A_189 : vector<16xf32>
      %select_n3A_192 = arith.select %ge3A_191, %select_n3A, %select_n3A_189 : vector<16xi1>, vector<16xf32>
      %select_n3A_193 = arith.select %ge3A_191, %select_n3A_187, %select_n3A_190 : vector<16xi1>, vector<16xi32>
      %eq3A = arith.cmpi eq, %select_n3A_193, %broadcast_in_dim3A_180 : vector<16xi32>
      %select_n3A_194 = arith.select %eq3A, %broadcast_in_dim3A_3, %max3A_169 : vector<16xi1>, vector<16xf32>
      %eq3A_195 = arith.cmpi eq, %select_n3A_193, %broadcast_in_dim3A_182 : vector<16xi32>
      %select_n3A_196 = arith.select %eq3A_195, %broadcast_in_dim3A_3, %max3A_172 : vector<16xi1>, vector<16xf32>
      %eq3A_197 = arith.cmpi eq, %select_n3A_193, %broadcast_in_dim3A_184 : vector<16xi32>
      %select_n3A_198 = arith.select %eq3A_197, %broadcast_in_dim3A_3, %max3A_175 : vector<16xi1>, vector<16xf32>
      %eq3A_199 = arith.cmpi eq, %select_n3A_193, %broadcast_in_dim3A_186 : vector<16xi32>
      %select_n3A_200 = arith.select %eq3A_199, %broadcast_in_dim3A_3, %max3A_178 : vector<16xi1>, vector<16xf32>
      %ge3A_201 = arith.cmpf oge, %select_n3A_194, %select_n3A_196 : vector<16xf32>
      %select_n3A_202 = arith.select %ge3A_201, %select_n3A_194, %select_n3A_196 : vector<16xi1>, vector<16xf32>
      %select_n3A_203 = arith.select %ge3A_201, %broadcast_in_dim3A_180, %broadcast_in_dim3A_182 : vector<16xi1>, vector<16xi32>
      %ge3A_204 = arith.cmpf oge, %select_n3A_198, %select_n3A_200 : vector<16xf32>
      %select_n3A_205 = arith.select %ge3A_204, %select_n3A_198, %select_n3A_200 : vector<16xi1>, vector<16xf32>
      %select_n3A_206 = arith.select %ge3A_204, %broadcast_in_dim3A_184, %broadcast_in_dim3A_186 : vector<16xi1>, vector<16xi32>
      %ge3A_207 = arith.cmpf oge, %select_n3A_202, %select_n3A_205 : vector<16xf32>
      %select_n3A_208 = arith.select %ge3A_207, %select_n3A_202, %select_n3A_205 : vector<16xi1>, vector<16xf32>
      %select_n3A_209 = arith.select %ge3A_207, %select_n3A_203, %select_n3A_206 : vector<16xi1>, vector<16xi32>
      %eq3A_210 = arith.cmpi eq, %select_n3A_193, %broadcast_in_dim3A_180 : vector<16xi32>
      %eq3A_211 = arith.cmpi eq, %select_n3A_209, %broadcast_in_dim3A_180 : vector<16xi32>
      %or3A = arith.ori %eq3A_210, %eq3A_211 : vector<16xi1>
      %select_n3A_212 = arith.select %or3A, %div3A, %broadcast_in_dim3A_3 : vector<16xi1>, vector<16xf32>
      %eq3A_213 = arith.cmpi eq, %select_n3A_193, %broadcast_in_dim3A_180 : vector<16xi32>
      %eq3A_214 = arith.cmpi eq, %select_n3A_209, %broadcast_in_dim3A_180 : vector<16xi32>
      %or3A_215 = arith.ori %eq3A_213, %eq3A_214 : vector<16xi1>
      %select_n3A_216 = arith.select %or3A_215, %div3A_152, %broadcast_in_dim3A_3 : vector<16xi1>, vector<16xf32>
      %eq3A_217 = arith.cmpi eq, %select_n3A_193, %broadcast_in_dim3A_180 : vector<16xi32>
      %eq3A_218 = arith.cmpi eq, %select_n3A_209, %broadcast_in_dim3A_180 : vector<16xi32>
      %or3A_219 = arith.ori %eq3A_217, %eq3A_218 : vector<16xi1>
      %select_n3A_220 = arith.select %or3A_219, %div3A_153, %broadcast_in_dim3A_3 : vector<16xi1>, vector<16xf32>
      %eq3A_221 = arith.cmpi eq, %select_n3A_193, %broadcast_in_dim3A_180 : vector<16xi32>
      %eq3A_222 = arith.cmpi eq, %select_n3A_209, %broadcast_in_dim3A_180 : vector<16xi32>
      %or3A_223 = arith.ori %eq3A_221, %eq3A_222 : vector<16xi1>
      %select_n3A_224 = arith.select %or3A_223, %div3A_154, %broadcast_in_dim3A_3 : vector<16xi1>, vector<16xf32>
      %eq3A_225 = arith.cmpi eq, %select_n3A_193, %broadcast_in_dim3A_182 : vector<16xi32>
      %eq3A_226 = arith.cmpi eq, %select_n3A_209, %broadcast_in_dim3A_182 : vector<16xi32>
      %or3A_227 = arith.ori %eq3A_225, %eq3A_226 : vector<16xi1>
      %select_n3A_228 = arith.select %or3A_227, %div3A_155, %broadcast_in_dim3A_3 : vector<16xi1>, vector<16xf32>
      %eq3A_229 = arith.cmpi eq, %select_n3A_193, %broadcast_in_dim3A_182 : vector<16xi32>
      %eq3A_230 = arith.cmpi eq, %select_n3A_209, %broadcast_in_dim3A_182 : vector<16xi32>
      %or3A_231 = arith.ori %eq3A_229, %eq3A_230 : vector<16xi1>
      %select_n3A_232 = arith.select %or3A_231, %div3A_156, %broadcast_in_dim3A_3 : vector<16xi1>, vector<16xf32>
      %eq3A_233 = arith.cmpi eq, %select_n3A_193, %broadcast_in_dim3A_182 : vector<16xi32>
      %eq3A_234 = arith.cmpi eq, %select_n3A_209, %broadcast_in_dim3A_182 : vector<16xi32>
      %or3A_235 = arith.ori %eq3A_233, %eq3A_234 : vector<16xi1>
      %select_n3A_236 = arith.select %or3A_235, %div3A_157, %broadcast_in_dim3A_3 : vector<16xi1>, vector<16xf32>
      %eq3A_237 = arith.cmpi eq, %select_n3A_193, %broadcast_in_dim3A_182 : vector<16xi32>
      %eq3A_238 = arith.cmpi eq, %select_n3A_209, %broadcast_in_dim3A_182 : vector<16xi32>
      %or3A_239 = arith.ori %eq3A_237, %eq3A_238 : vector<16xi1>
      %select_n3A_240 = arith.select %or3A_239, %div3A_158, %broadcast_in_dim3A_3 : vector<16xi1>, vector<16xf32>
      %eq3A_241 = arith.cmpi eq, %select_n3A_193, %broadcast_in_dim3A_184 : vector<16xi32>
      %eq3A_242 = arith.cmpi eq, %select_n3A_209, %broadcast_in_dim3A_184 : vector<16xi32>
      %or3A_243 = arith.ori %eq3A_241, %eq3A_242 : vector<16xi1>
      %select_n3A_244 = arith.select %or3A_243, %div3A_159, %broadcast_in_dim3A_3 : vector<16xi1>, vector<16xf32>
      %eq3A_245 = arith.cmpi eq, %select_n3A_193, %broadcast_in_dim3A_184 : vector<16xi32>
      %eq3A_246 = arith.cmpi eq, %select_n3A_209, %broadcast_in_dim3A_184 : vector<16xi32>
      %or3A_247 = arith.ori %eq3A_245, %eq3A_246 : vector<16xi1>
      %select_n3A_248 = arith.select %or3A_247, %div3A_160, %broadcast_in_dim3A_3 : vector<16xi1>, vector<16xf32>
      %eq3A_249 = arith.cmpi eq, %select_n3A_193, %broadcast_in_dim3A_184 : vector<16xi32>
      %eq3A_250 = arith.cmpi eq, %select_n3A_209, %broadcast_in_dim3A_184 : vector<16xi32>
      %or3A_251 = arith.ori %eq3A_249, %eq3A_250 : vector<16xi1>
      %select_n3A_252 = arith.select %or3A_251, %div3A_161, %broadcast_in_dim3A_3 : vector<16xi1>, vector<16xf32>
      %eq3A_253 = arith.cmpi eq, %select_n3A_193, %broadcast_in_dim3A_184 : vector<16xi32>
      %eq3A_254 = arith.cmpi eq, %select_n3A_209, %broadcast_in_dim3A_184 : vector<16xi32>
      %or3A_255 = arith.ori %eq3A_253, %eq3A_254 : vector<16xi1>
      %select_n3A_256 = arith.select %or3A_255, %div3A_162, %broadcast_in_dim3A_3 : vector<16xi1>, vector<16xf32>
      %eq3A_257 = arith.cmpi eq, %select_n3A_193, %broadcast_in_dim3A_186 : vector<16xi32>
      %eq3A_258 = arith.cmpi eq, %select_n3A_209, %broadcast_in_dim3A_186 : vector<16xi32>
      %or3A_259 = arith.ori %eq3A_257, %eq3A_258 : vector<16xi1>
      %select_n3A_260 = arith.select %or3A_259, %div3A_163, %broadcast_in_dim3A_3 : vector<16xi1>, vector<16xf32>
      %eq3A_261 = arith.cmpi eq, %select_n3A_193, %broadcast_in_dim3A_186 : vector<16xi32>
      %eq3A_262 = arith.cmpi eq, %select_n3A_209, %broadcast_in_dim3A_186 : vector<16xi32>
      %or3A_263 = arith.ori %eq3A_261, %eq3A_262 : vector<16xi1>
      %select_n3A_264 = arith.select %or3A_263, %div3A_164, %broadcast_in_dim3A_3 : vector<16xi1>, vector<16xf32>
      %eq3A_265 = arith.cmpi eq, %select_n3A_193, %broadcast_in_dim3A_186 : vector<16xi32>
      %eq3A_266 = arith.cmpi eq, %select_n3A_209, %broadcast_in_dim3A_186 : vector<16xi32>
      %or3A_267 = arith.ori %eq3A_265, %eq3A_266 : vector<16xi1>
      %select_n3A_268 = arith.select %or3A_267, %div3A_165, %broadcast_in_dim3A_3 : vector<16xi1>, vector<16xf32>
      %eq3A_269 = arith.cmpi eq, %select_n3A_193, %broadcast_in_dim3A_186 : vector<16xi32>
      %eq3A_270 = arith.cmpi eq, %select_n3A_209, %broadcast_in_dim3A_186 : vector<16xi32>
      %or3A_271 = arith.ori %eq3A_269, %eq3A_270 : vector<16xi1>
      %select_n3A_272 = arith.select %or3A_271, %div3A_166, %broadcast_in_dim3A_3 : vector<16xi1>, vector<16xf32>
      %broadcast_in_dim3A_273 = arith.constant 0 : i32
      %broadcast_in_dim3A_274 = vector.broadcast %broadcast_in_dim3A_273 : i32 to vector<16xi32>
      %broadcast_in_dim3A_275 = arith.constant 1 : i32
      %broadcast_in_dim3A_276 = vector.broadcast %broadcast_in_dim3A_275 : i32 to vector<16xi32>
      %broadcast_in_dim3A_277 = arith.constant 2 : i32
      %broadcast_in_dim3A_278 = vector.broadcast %broadcast_in_dim3A_277 : i32 to vector<16xi32>
      %broadcast_in_dim3A_279 = arith.constant 3 : i32
      %broadcast_in_dim3A_280 = vector.broadcast %broadcast_in_dim3A_279 : i32 to vector<16xi32>
      %broadcast_in_dim3A_281 = arith.constant 4 : i32
      %broadcast_in_dim3A_282 = vector.broadcast %broadcast_in_dim3A_281 : i32 to vector<16xi32>
      %broadcast_in_dim3A_283 = arith.constant 5 : i32
      %broadcast_in_dim3A_284 = vector.broadcast %broadcast_in_dim3A_283 : i32 to vector<16xi32>
      %broadcast_in_dim3A_285 = arith.constant 6 : i32
      %broadcast_in_dim3A_286 = vector.broadcast %broadcast_in_dim3A_285 : i32 to vector<16xi32>
      %broadcast_in_dim3A_287 = arith.constant 7 : i32
      %broadcast_in_dim3A_288 = vector.broadcast %broadcast_in_dim3A_287 : i32 to vector<16xi32>
      %broadcast_in_dim3A_289 = arith.constant 8 : i32
      %broadcast_in_dim3A_290 = vector.broadcast %broadcast_in_dim3A_289 : i32 to vector<16xi32>
      %broadcast_in_dim3A_291 = arith.constant 9 : i32
      %broadcast_in_dim3A_292 = vector.broadcast %broadcast_in_dim3A_291 : i32 to vector<16xi32>
      %broadcast_in_dim3A_293 = arith.constant 10 : i32
      %broadcast_in_dim3A_294 = vector.broadcast %broadcast_in_dim3A_293 : i32 to vector<16xi32>
      %broadcast_in_dim3A_295 = arith.constant 11 : i32
      %broadcast_in_dim3A_296 = vector.broadcast %broadcast_in_dim3A_295 : i32 to vector<16xi32>
      %broadcast_in_dim3A_297 = arith.constant 12 : i32
      %broadcast_in_dim3A_298 = vector.broadcast %broadcast_in_dim3A_297 : i32 to vector<16xi32>
      %broadcast_in_dim3A_299 = arith.constant 13 : i32
      %broadcast_in_dim3A_300 = vector.broadcast %broadcast_in_dim3A_299 : i32 to vector<16xi32>
      %broadcast_in_dim3A_301 = arith.constant 14 : i32
      %broadcast_in_dim3A_302 = vector.broadcast %broadcast_in_dim3A_301 : i32 to vector<16xi32>
      %broadcast_in_dim3A_303 = arith.constant 15 : i32
      %broadcast_in_dim3A_304 = vector.broadcast %broadcast_in_dim3A_303 : i32 to vector<16xi32>
      %ge3A_305 = arith.cmpf oge, %select_n3A_212, %select_n3A_216 : vector<16xf32>
      %select_n3A_306 = arith.select %ge3A_305, %select_n3A_212, %select_n3A_216 : vector<16xi1>, vector<16xf32>
      %select_n3A_307 = arith.select %ge3A_305, %broadcast_in_dim3A_274, %broadcast_in_dim3A_276 : vector<16xi1>, vector<16xi32>
      %ge3A_308 = arith.cmpf oge, %select_n3A_220, %select_n3A_224 : vector<16xf32>
      %select_n3A_309 = arith.select %ge3A_308, %select_n3A_220, %select_n3A_224 : vector<16xi1>, vector<16xf32>
      %select_n3A_310 = arith.select %ge3A_308, %broadcast_in_dim3A_278, %broadcast_in_dim3A_280 : vector<16xi1>, vector<16xi32>
      %ge3A_311 = arith.cmpf oge, %select_n3A_228, %select_n3A_232 : vector<16xf32>
      %select_n3A_312 = arith.select %ge3A_311, %select_n3A_228, %select_n3A_232 : vector<16xi1>, vector<16xf32>
      %select_n3A_313 = arith.select %ge3A_311, %broadcast_in_dim3A_282, %broadcast_in_dim3A_284 : vector<16xi1>, vector<16xi32>
      %ge3A_314 = arith.cmpf oge, %select_n3A_236, %select_n3A_240 : vector<16xf32>
      %select_n3A_315 = arith.select %ge3A_314, %select_n3A_236, %select_n3A_240 : vector<16xi1>, vector<16xf32>
      %select_n3A_316 = arith.select %ge3A_314, %broadcast_in_dim3A_286, %broadcast_in_dim3A_288 : vector<16xi1>, vector<16xi32>
      %ge3A_317 = arith.cmpf oge, %select_n3A_244, %select_n3A_248 : vector<16xf32>
      %select_n3A_318 = arith.select %ge3A_317, %select_n3A_244, %select_n3A_248 : vector<16xi1>, vector<16xf32>
      %select_n3A_319 = arith.select %ge3A_317, %broadcast_in_dim3A_290, %broadcast_in_dim3A_292 : vector<16xi1>, vector<16xi32>
      %ge3A_320 = arith.cmpf oge, %select_n3A_252, %select_n3A_256 : vector<16xf32>
      %select_n3A_321 = arith.select %ge3A_320, %select_n3A_252, %select_n3A_256 : vector<16xi1>, vector<16xf32>
      %select_n3A_322 = arith.select %ge3A_320, %broadcast_in_dim3A_294, %broadcast_in_dim3A_296 : vector<16xi1>, vector<16xi32>
      %ge3A_323 = arith.cmpf oge, %select_n3A_260, %select_n3A_264 : vector<16xf32>
      %select_n3A_324 = arith.select %ge3A_323, %select_n3A_260, %select_n3A_264 : vector<16xi1>, vector<16xf32>
      %select_n3A_325 = arith.select %ge3A_323, %broadcast_in_dim3A_298, %broadcast_in_dim3A_300 : vector<16xi1>, vector<16xi32>
      %ge3A_326 = arith.cmpf oge, %select_n3A_268, %select_n3A_272 : vector<16xf32>
      %select_n3A_327 = arith.select %ge3A_326, %select_n3A_268, %select_n3A_272 : vector<16xi1>, vector<16xf32>
      %select_n3A_328 = arith.select %ge3A_326, %broadcast_in_dim3A_302, %broadcast_in_dim3A_304 : vector<16xi1>, vector<16xi32>
      %ge3A_329 = arith.cmpf oge, %select_n3A_306, %select_n3A_309 : vector<16xf32>
      %select_n3A_330 = arith.select %ge3A_329, %select_n3A_306, %select_n3A_309 : vector<16xi1>, vector<16xf32>
      %select_n3A_331 = arith.select %ge3A_329, %select_n3A_307, %select_n3A_310 : vector<16xi1>, vector<16xi32>
      %ge3A_332 = arith.cmpf oge, %select_n3A_312, %select_n3A_315 : vector<16xf32>
      %select_n3A_333 = arith.select %ge3A_332, %select_n3A_312, %select_n3A_315 : vector<16xi1>, vector<16xf32>
      %select_n3A_334 = arith.select %ge3A_332, %select_n3A_313, %select_n3A_316 : vector<16xi1>, vector<16xi32>
      %ge3A_335 = arith.cmpf oge, %select_n3A_318, %select_n3A_321 : vector<16xf32>
      %select_n3A_336 = arith.select %ge3A_335, %select_n3A_318, %select_n3A_321 : vector<16xi1>, vector<16xf32>
      %select_n3A_337 = arith.select %ge3A_335, %select_n3A_319, %select_n3A_322 : vector<16xi1>, vector<16xi32>
      %ge3A_338 = arith.cmpf oge, %select_n3A_324, %select_n3A_327 : vector<16xf32>
      %select_n3A_339 = arith.select %ge3A_338, %select_n3A_324, %select_n3A_327 : vector<16xi1>, vector<16xf32>
      %select_n3A_340 = arith.select %ge3A_338, %select_n3A_325, %select_n3A_328 : vector<16xi1>, vector<16xi32>
      %ge3A_341 = arith.cmpf oge, %select_n3A_330, %select_n3A_333 : vector<16xf32>
      %select_n3A_342 = arith.select %ge3A_341, %select_n3A_330, %select_n3A_333 : vector<16xi1>, vector<16xf32>
      %select_n3A_343 = arith.select %ge3A_341, %select_n3A_331, %select_n3A_334 : vector<16xi1>, vector<16xi32>
      %ge3A_344 = arith.cmpf oge, %select_n3A_336, %select_n3A_339 : vector<16xf32>
      %select_n3A_345 = arith.select %ge3A_344, %select_n3A_336, %select_n3A_339 : vector<16xi1>, vector<16xf32>
      %select_n3A_346 = arith.select %ge3A_344, %select_n3A_337, %select_n3A_340 : vector<16xi1>, vector<16xi32>
      %ge3A_347 = arith.cmpf oge, %select_n3A_342, %select_n3A_345 : vector<16xf32>
      %select_n3A_348 = arith.select %ge3A_347, %select_n3A_342, %select_n3A_345 : vector<16xi1>, vector<16xf32>
      %select_n3A_349 = arith.select %ge3A_347, %select_n3A_343, %select_n3A_346 : vector<16xi1>, vector<16xi32>
      %eq3A_350 = arith.cmpi eq, %select_n3A_349, %broadcast_in_dim3A_274 : vector<16xi32>
      %select_n3A_351 = arith.select %eq3A_350, %broadcast_in_dim3A_3, %select_n3A_212 : vector<16xi1>, vector<16xf32>
      %eq3A_352 = arith.cmpi eq, %select_n3A_349, %broadcast_in_dim3A_276 : vector<16xi32>
      %select_n3A_353 = arith.select %eq3A_352, %broadcast_in_dim3A_3, %select_n3A_216 : vector<16xi1>, vector<16xf32>
      %eq3A_354 = arith.cmpi eq, %select_n3A_349, %broadcast_in_dim3A_278 : vector<16xi32>
      %select_n3A_355 = arith.select %eq3A_354, %broadcast_in_dim3A_3, %select_n3A_220 : vector<16xi1>, vector<16xf32>
      %eq3A_356 = arith.cmpi eq, %select_n3A_349, %broadcast_in_dim3A_280 : vector<16xi32>
      %select_n3A_357 = arith.select %eq3A_356, %broadcast_in_dim3A_3, %select_n3A_224 : vector<16xi1>, vector<16xf32>
      %eq3A_358 = arith.cmpi eq, %select_n3A_349, %broadcast_in_dim3A_282 : vector<16xi32>
      %select_n3A_359 = arith.select %eq3A_358, %broadcast_in_dim3A_3, %select_n3A_228 : vector<16xi1>, vector<16xf32>
      %eq3A_360 = arith.cmpi eq, %select_n3A_349, %broadcast_in_dim3A_284 : vector<16xi32>
      %select_n3A_361 = arith.select %eq3A_360, %broadcast_in_dim3A_3, %select_n3A_232 : vector<16xi1>, vector<16xf32>
      %eq3A_362 = arith.cmpi eq, %select_n3A_349, %broadcast_in_dim3A_286 : vector<16xi32>
      %select_n3A_363 = arith.select %eq3A_362, %broadcast_in_dim3A_3, %select_n3A_236 : vector<16xi1>, vector<16xf32>
      %eq3A_364 = arith.cmpi eq, %select_n3A_349, %broadcast_in_dim3A_288 : vector<16xi32>
      %select_n3A_365 = arith.select %eq3A_364, %broadcast_in_dim3A_3, %select_n3A_240 : vector<16xi1>, vector<16xf32>
      %eq3A_366 = arith.cmpi eq, %select_n3A_349, %broadcast_in_dim3A_290 : vector<16xi32>
      %select_n3A_367 = arith.select %eq3A_366, %broadcast_in_dim3A_3, %select_n3A_244 : vector<16xi1>, vector<16xf32>
      %eq3A_368 = arith.cmpi eq, %select_n3A_349, %broadcast_in_dim3A_292 : vector<16xi32>
      %select_n3A_369 = arith.select %eq3A_368, %broadcast_in_dim3A_3, %select_n3A_248 : vector<16xi1>, vector<16xf32>
      %eq3A_370 = arith.cmpi eq, %select_n3A_349, %broadcast_in_dim3A_294 : vector<16xi32>
      %select_n3A_371 = arith.select %eq3A_370, %broadcast_in_dim3A_3, %select_n3A_252 : vector<16xi1>, vector<16xf32>
      %eq3A_372 = arith.cmpi eq, %select_n3A_349, %broadcast_in_dim3A_296 : vector<16xi32>
      %select_n3A_373 = arith.select %eq3A_372, %broadcast_in_dim3A_3, %select_n3A_256 : vector<16xi1>, vector<16xf32>
      %eq3A_374 = arith.cmpi eq, %select_n3A_349, %broadcast_in_dim3A_298 : vector<16xi32>
      %select_n3A_375 = arith.select %eq3A_374, %broadcast_in_dim3A_3, %select_n3A_260 : vector<16xi1>, vector<16xf32>
      %eq3A_376 = arith.cmpi eq, %select_n3A_349, %broadcast_in_dim3A_300 : vector<16xi32>
      %select_n3A_377 = arith.select %eq3A_376, %broadcast_in_dim3A_3, %select_n3A_264 : vector<16xi1>, vector<16xf32>
      %eq3A_378 = arith.cmpi eq, %select_n3A_349, %broadcast_in_dim3A_302 : vector<16xi32>
      %select_n3A_379 = arith.select %eq3A_378, %broadcast_in_dim3A_3, %select_n3A_268 : vector<16xi1>, vector<16xf32>
      %eq3A_380 = arith.cmpi eq, %select_n3A_349, %broadcast_in_dim3A_304 : vector<16xi32>
      %select_n3A_381 = arith.select %eq3A_380, %broadcast_in_dim3A_3, %select_n3A_272 : vector<16xi1>, vector<16xf32>
      %ge3A_382 = arith.cmpf oge, %select_n3A_351, %select_n3A_353 : vector<16xf32>
      %select_n3A_383 = arith.select %ge3A_382, %select_n3A_351, %select_n3A_353 : vector<16xi1>, vector<16xf32>
      %select_n3A_384 = arith.select %ge3A_382, %broadcast_in_dim3A_274, %broadcast_in_dim3A_276 : vector<16xi1>, vector<16xi32>
      %ge3A_385 = arith.cmpf oge, %select_n3A_355, %select_n3A_357 : vector<16xf32>
      %select_n3A_386 = arith.select %ge3A_385, %select_n3A_355, %select_n3A_357 : vector<16xi1>, vector<16xf32>
      %select_n3A_387 = arith.select %ge3A_385, %broadcast_in_dim3A_278, %broadcast_in_dim3A_280 : vector<16xi1>, vector<16xi32>
      %ge3A_388 = arith.cmpf oge, %select_n3A_359, %select_n3A_361 : vector<16xf32>
      %select_n3A_389 = arith.select %ge3A_388, %select_n3A_359, %select_n3A_361 : vector<16xi1>, vector<16xf32>
      %select_n3A_390 = arith.select %ge3A_388, %broadcast_in_dim3A_282, %broadcast_in_dim3A_284 : vector<16xi1>, vector<16xi32>
      %ge3A_391 = arith.cmpf oge, %select_n3A_363, %select_n3A_365 : vector<16xf32>
      %select_n3A_392 = arith.select %ge3A_391, %select_n3A_363, %select_n3A_365 : vector<16xi1>, vector<16xf32>
      %select_n3A_393 = arith.select %ge3A_391, %broadcast_in_dim3A_286, %broadcast_in_dim3A_288 : vector<16xi1>, vector<16xi32>
      %ge3A_394 = arith.cmpf oge, %select_n3A_367, %select_n3A_369 : vector<16xf32>
      %select_n3A_395 = arith.select %ge3A_394, %select_n3A_367, %select_n3A_369 : vector<16xi1>, vector<16xf32>
      %select_n3A_396 = arith.select %ge3A_394, %broadcast_in_dim3A_290, %broadcast_in_dim3A_292 : vector<16xi1>, vector<16xi32>
      %ge3A_397 = arith.cmpf oge, %select_n3A_371, %select_n3A_373 : vector<16xf32>
      %select_n3A_398 = arith.select %ge3A_397, %select_n3A_371, %select_n3A_373 : vector<16xi1>, vector<16xf32>
      %select_n3A_399 = arith.select %ge3A_397, %broadcast_in_dim3A_294, %broadcast_in_dim3A_296 : vector<16xi1>, vector<16xi32>
      %ge3A_400 = arith.cmpf oge, %select_n3A_375, %select_n3A_377 : vector<16xf32>
      %select_n3A_401 = arith.select %ge3A_400, %select_n3A_375, %select_n3A_377 : vector<16xi1>, vector<16xf32>
      %select_n3A_402 = arith.select %ge3A_400, %broadcast_in_dim3A_298, %broadcast_in_dim3A_300 : vector<16xi1>, vector<16xi32>
      %ge3A_403 = arith.cmpf oge, %select_n3A_379, %select_n3A_381 : vector<16xf32>
      %select_n3A_404 = arith.select %ge3A_403, %select_n3A_379, %select_n3A_381 : vector<16xi1>, vector<16xf32>
      %select_n3A_405 = arith.select %ge3A_403, %broadcast_in_dim3A_302, %broadcast_in_dim3A_304 : vector<16xi1>, vector<16xi32>
      %ge3A_406 = arith.cmpf oge, %select_n3A_383, %select_n3A_386 : vector<16xf32>
      %select_n3A_407 = arith.select %ge3A_406, %select_n3A_383, %select_n3A_386 : vector<16xi1>, vector<16xf32>
      %select_n3A_408 = arith.select %ge3A_406, %select_n3A_384, %select_n3A_387 : vector<16xi1>, vector<16xi32>
      %ge3A_409 = arith.cmpf oge, %select_n3A_389, %select_n3A_392 : vector<16xf32>
      %select_n3A_410 = arith.select %ge3A_409, %select_n3A_389, %select_n3A_392 : vector<16xi1>, vector<16xf32>
      %select_n3A_411 = arith.select %ge3A_409, %select_n3A_390, %select_n3A_393 : vector<16xi1>, vector<16xi32>
      %ge3A_412 = arith.cmpf oge, %select_n3A_395, %select_n3A_398 : vector<16xf32>
      %select_n3A_413 = arith.select %ge3A_412, %select_n3A_395, %select_n3A_398 : vector<16xi1>, vector<16xf32>
      %select_n3A_414 = arith.select %ge3A_412, %select_n3A_396, %select_n3A_399 : vector<16xi1>, vector<16xi32>
      %ge3A_415 = arith.cmpf oge, %select_n3A_401, %select_n3A_404 : vector<16xf32>
      %select_n3A_416 = arith.select %ge3A_415, %select_n3A_401, %select_n3A_404 : vector<16xi1>, vector<16xf32>
      %select_n3A_417 = arith.select %ge3A_415, %select_n3A_402, %select_n3A_405 : vector<16xi1>, vector<16xi32>
      %ge3A_418 = arith.cmpf oge, %select_n3A_407, %select_n3A_410 : vector<16xf32>
      %select_n3A_419 = arith.select %ge3A_418, %select_n3A_407, %select_n3A_410 : vector<16xi1>, vector<16xf32>
      %select_n3A_420 = arith.select %ge3A_418, %select_n3A_408, %select_n3A_411 : vector<16xi1>, vector<16xi32>
      %ge3A_421 = arith.cmpf oge, %select_n3A_413, %select_n3A_416 : vector<16xf32>
      %select_n3A_422 = arith.select %ge3A_421, %select_n3A_413, %select_n3A_416 : vector<16xi1>, vector<16xf32>
      %select_n3A_423 = arith.select %ge3A_421, %select_n3A_414, %select_n3A_417 : vector<16xi1>, vector<16xi32>
      %ge3A_424 = arith.cmpf oge, %select_n3A_419, %select_n3A_422 : vector<16xf32>
      %select_n3A_425 = arith.select %ge3A_424, %select_n3A_419, %select_n3A_422 : vector<16xi1>, vector<16xf32>
      %select_n3A_426 = arith.select %ge3A_424, %select_n3A_420, %select_n3A_423 : vector<16xi1>, vector<16xi32>
      %swap3A = arith.constant 0 : i32
      %swap3A_427 = arith.index_cast %swap3A : i32 to index
      %swap3A_428 = arith.index_cast %multiple_of3A : i32 to index
      %swap3A_429 = tpu.vector_load %arg6[%swap3A_427, %swap3A_428] {strides = array<i32>} : memref<2x1024xf32, #tpu.memory_space<vmem>>, vector<1x16xf32>,
      %swap3A_430 = vector.shape_cast %swap3A_429 : vector<1x16xf32> to vector<16xf32>
      %swap3A_431 = vector.shape_cast %select_n3A_348 : vector<16xf32> to vector<1x16xf32>
      tpu.vector_store %arg6[%swap3A_427, %swap3A_428], %swap3A_431 {strides = array<i32>} : memref<2x1024xf32, #tpu.memory_space<vmem>>, vector<1x16xf32>,
      %swap3A_432 = arith.constant 1 : i32
      %swap3A_433 = arith.index_cast %swap3A_432 : i32 to index
      %swap3A_434 = arith.index_cast %multiple_of3A : i32 to index
      %swap3A_435 = tpu.vector_load %arg6[%swap3A_433, %swap3A_434] {strides = array<i32>} : memref<2x1024xf32, #tpu.memory_space<vmem>>, vector<1x16xf32>,
      %swap3A_436 = vector.shape_cast %swap3A_435 : vector<1x16xf32> to vector<16xf32>
      %swap3A_437 = vector.shape_cast %select_n3A_425 : vector<16xf32> to vector<1x16xf32>
      tpu.vector_store %arg6[%swap3A_433, %swap3A_434], %swap3A_437 {strides = array<i32>} : memref<2x1024xf32, #tpu.memory_space<vmem>>, vector<1x16xf32>,
      %swap3A_438 = arith.constant 0 : i32
      %swap3A_439 = arith.index_cast %swap3A_438 : i32 to index
      %swap3A_440 = arith.index_cast %multiple_of3A : i32 to index
      %swap3A_441 = tpu.vector_load %arg7[%swap3A_439, %swap3A_440] {strides = array<i32>} : memref<2x1024xi32, #tpu.memory_space<vmem>>, vector<1x16xi32>,
      %swap3A_442 = vector.shape_cast %swap3A_441 : vector<1x16xi32> to vector<16xi32>
      %swap3A_443 = vector.shape_cast %select_n3A_349 : vector<16xi32> to vector<1x16xi32>
      tpu.vector_store %arg7[%swap3A_439, %swap3A_440], %swap3A_443 {strides = array<i32>} : memref<2x1024xi32, #tpu.memory_space<vmem>>, vector<1x16xi32>,
      %swap3A_444 = arith.constant 1 : i32
      %swap3A_445 = arith.index_cast %swap3A_444 : i32 to index
      %swap3A_446 = arith.index_cast %multiple_of3A : i32 to index
      %swap3A_447 = tpu.vector_load %arg7[%swap3A_445, %swap3A_446] {strides = array<i32>} : memref<2x1024xi32, #tpu.memory_space<vmem>>, vector<1x16xi32>,
      %swap3A_448 = vector.shape_cast %swap3A_447 : vector<1x16xi32> to vector<16xi32>
      %swap3A_449 = vector.shape_cast %select_n3A_426 : vector<16xi32> to vector<1x16xi32>
      tpu.vector_store %arg7[%swap3A_445, %swap3A_446], %swap3A_449 {strides = array<i32>} : memref<2x1024xi32, #tpu.memory_space<vmem>>, vector<1x16xi32>,
      %mul3A_450 = arith.constant 32 : i32
      %mul3A_451 = arith.muli %scan3A_9, %mul3A_450 : i32
      %add3A_452 = arith.constant 16 : i32
      %add3A_453 = arith.addi %mul3A_451, %add3A_452 : i32
      %multiple_of3A_454 = tpu.assume_multiple %add3A_453, 16 : i32
      %get3A_455 = arith.constant 0 : i32
      %get3A_456 = arith.index_cast %get3A_455 : i32 to index
      %get3A_457 = arith.index_cast %multiple_of3A_454 : i32 to index
      %get3A_458 = tpu.vector_load %arg5[%get3A_456, %get3A_457] {strides = array<i32>} : memref<16x1024xf32, #tpu.memory_space<vmem>>, vector<1x16xf32>,
      %get3A_459 = vector.shape_cast %get3A_458 : vector<1x16xf32> to vector<16xf32>
      %get3A_460 = arith.constant 1 : i32
      %get3A_461 = arith.index_cast %get3A_460 : i32 to index
      %get3A_462 = arith.index_cast %multiple_of3A_454 : i32 to index
      %get3A_463 = tpu.vector_load %arg5[%get3A_461, %get3A_462] {strides = array<i32>} : memref<16x1024xf32, #tpu.memory_space<vmem>>, vector<1x16xf32>,
      %get3A_464 = vector.shape_cast %get3A_463 : vector<1x16xf32> to vector<16xf32>
      %get3A_465 = arith.constant 2 : i32
      %get3A_466 = arith.index_cast %get3A_465 : i32 to index
      %get3A_467 = arith.index_cast %multiple_of3A_454 : i32 to index
      %get3A_468 = tpu.vector_load %arg5[%get3A_466, %get3A_467] {strides = array<i32>} : memref<16x1024xf32, #tpu.memory_space<vmem>>, vector<1x16xf32>,
      %get3A_469 = vector.shape_cast %get3A_468 : vector<1x16xf32> to vector<16xf32>
      %get3A_470 = arith.constant 3 : i32
      %get3A_471 = arith.index_cast %get3A_470 : i32 to index
      %get3A_472 = arith.index_cast %multiple_of3A_454 : i32 to index
      %get3A_473 = tpu.vector_load %arg5[%get3A_471, %get3A_472] {strides = array<i32>} : memref<16x1024xf32, #tpu.memory_space<vmem>>, vector<1x16xf32>,
      %get3A_474 = vector.shape_cast %get3A_473 : vector<1x16xf32> to vector<16xf32>
      %get3A_475 = arith.constant 4 : i32
      %get3A_476 = arith.index_cast %get3A_475 : i32 to index
      %get3A_477 = arith.index_cast %multiple_of3A_454 : i32 to index
      %get3A_478 = tpu.vector_load %arg5[%get3A_476, %get3A_477] {strides = array<i32>} : memref<16x1024xf32, #tpu.memory_space<vmem>>, vector<1x16xf32>,
      %get3A_479 = vector.shape_cast %get3A_478 : vector<1x16xf32> to vector<16xf32>
      %get3A_480 = arith.constant 5 : i32
      %get3A_481 = arith.index_cast %get3A_480 : i32 to index
      %get3A_482 = arith.index_cast %multiple_of3A_454 : i32 to index
      %get3A_483 = tpu.vector_load %arg5[%get3A_481, %get3A_482] {strides = array<i32>} : memref<16x1024xf32, #tpu.memory_space<vmem>>, vector<1x16xf32>,
      %get3A_484 = vector.shape_cast %get3A_483 : vector<1x16xf32> to vector<16xf32>
      %get3A_485 = arith.constant 6 : i32
      %get3A_486 = arith.index_cast %get3A_485 : i32 to index
      %get3A_487 = arith.index_cast %multiple_of3A_454 : i32 to index
      %get3A_488 = tpu.vector_load %arg5[%get3A_486, %get3A_487] {strides = array<i32>} : memref<16x1024xf32, #tpu.memory_space<vmem>>, vector<1x16xf32>,
      %get3A_489 = vector.shape_cast %get3A_488 : vector<1x16xf32> to vector<16xf32>
      %get3A_490 = arith.constant 7 : i32
      %get3A_491 = arith.index_cast %get3A_490 : i32 to index
      %get3A_492 = arith.index_cast %multiple_of3A_454 : i32 to index
      %get3A_493 = tpu.vector_load %arg5[%get3A_491, %get3A_492] {strides = array<i32>} : memref<16x1024xf32, #tpu.memory_space<vmem>>, vector<1x16xf32>,
      %get3A_494 = vector.shape_cast %get3A_493 : vector<1x16xf32> to vector<16xf32>
      %get3A_495 = arith.constant 8 : i32
      %get3A_496 = arith.index_cast %get3A_495 : i32 to index
      %get3A_497 = arith.index_cast %multiple_of3A_454 : i32 to index
      %get3A_498 = tpu.vector_load %arg5[%get3A_496, %get3A_497] {strides = array<i32>} : memref<16x1024xf32, #tpu.memory_space<vmem>>, vector<1x16xf32>,
      %get3A_499 = vector.shape_cast %get3A_498 : vector<1x16xf32> to vector<16xf32>
      %get3A_500 = arith.constant 9 : i32
      %get3A_501 = arith.index_cast %get3A_500 : i32 to index
      %get3A_502 = arith.index_cast %multiple_of3A_454 : i32 to index
      %get3A_503 = tpu.vector_load %arg5[%get3A_501, %get3A_502] {strides = array<i32>} : memref<16x1024xf32, #tpu.memory_space<vmem>>, vector<1x16xf32>,
      %get3A_504 = vector.shape_cast %get3A_503 : vector<1x16xf32> to vector<16xf32>
      %get3A_505 = arith.constant 10 : i32
      %get3A_506 = arith.index_cast %get3A_505 : i32 to index
      %get3A_507 = arith.index_cast %multiple_of3A_454 : i32 to index
      %get3A_508 = tpu.vector_load %arg5[%get3A_506, %get3A_507] {strides = array<i32>} : memref<16x1024xf32, #tpu.memory_space<vmem>>, vector<1x16xf32>,
      %get3A_509 = vector.shape_cast %get3A_508 : vector<1x16xf32> to vector<16xf32>
      %get3A_510 = arith.constant 11 : i32
      %get3A_511 = arith.index_cast %get3A_510 : i32 to index
      %get3A_512 = arith.index_cast %multiple_of3A_454 : i32 to index
      %get3A_513 = tpu.vector_load %arg5[%get3A_511, %get3A_512] {strides = array<i32>} : memref<16x1024xf32, #tpu.memory_space<vmem>>, vector<1x16xf32>,
      %get3A_514 = vector.shape_cast %get3A_513 : vector<1x16xf32> to vector<16xf32>
      %get3A_515 = arith.constant 12 : i32
      %get3A_516 = arith.index_cast %get3A_515 : i32 to index
      %get3A_517 = arith.index_cast %multiple_of3A_454 : i32 to index
      %get3A_518 = tpu.vector_load %arg5[%get3A_516, %get3A_517] {strides = array<i32>} : memref<16x1024xf32, #tpu.memory_space<vmem>>, vector<1x16xf32>,
      %get3A_519 = vector.shape_cast %get3A_518 : vector<1x16xf32> to vector<16xf32>
      %get3A_520 = arith.constant 13 : i32
      %get3A_521 = arith.index_cast %get3A_520 : i32 to index
      %get3A_522 = arith.index_cast %multiple_of3A_454 : i32 to index
      %get3A_523 = tpu.vector_load %arg5[%get3A_521, %get3A_522] {strides = array<i32>} : memref<16x1024xf32, #tpu.memory_space<vmem>>, vector<1x16xf32>,
      %get3A_524 = vector.shape_cast %get3A_523 : vector<1x16xf32> to vector<16xf32>
      %get3A_525 = arith.constant 14 : i32
      %get3A_526 = arith.index_cast %get3A_525 : i32 to index
      %get3A_527 = arith.index_cast %multiple_of3A_454 : i32 to index
      %get3A_528 = tpu.vector_load %arg5[%get3A_526, %get3A_527] {strides = array<i32>} : memref<16x1024xf32, #tpu.memory_space<vmem>>, vector<1x16xf32>,
      %get3A_529 = vector.shape_cast %get3A_528 : vector<1x16xf32> to vector<16xf32>
      %get3A_530 = arith.constant 15 : i32
      %get3A_531 = arith.index_cast %get3A_530 : i32 to index
      %get3A_532 = arith.index_cast %multiple_of3A_454 : i32 to index
      %get3A_533 = tpu.vector_load %arg5[%get3A_531, %get3A_532] {strides = array<i32>} : memref<16x1024xf32, #tpu.memory_space<vmem>>, vector<1x16xf32>,
      %get3A_534 = vector.shape_cast %get3A_533 : vector<1x16xf32> to vector<16xf32>
      %max3A_535 = arith.maximumf %get3A_459, %get3A_464 : vector<16xf32>
      %max3A_536 = arith.maximumf %get3A_469, %get3A_474 : vector<16xf32>
      %max3A_537 = arith.maximumf %get3A_479, %get3A_484 : vector<16xf32>
      %max3A_538 = arith.maximumf %get3A_489, %get3A_494 : vector<16xf32>
      %max3A_539 = arith.maximumf %get3A_499, %get3A_504 : vector<16xf32>
      %max3A_540 = arith.maximumf %get3A_509, %get3A_514 : vector<16xf32>
      %max3A_541 = arith.maximumf %get3A_519, %get3A_524 : vector<16xf32>
      %max3A_542 = arith.maximumf %get3A_529, %get3A_534 : vector<16xf32>
      %max3A_543 = arith.maximumf %max3A_535, %max3A_536 : vector<16xf32>
      %max3A_544 = arith.maximumf %max3A_537, %max3A_538 : vector<16xf32>
      %max3A_545 = arith.maximumf %max3A_539, %max3A_540 : vector<16xf32>
      %max3A_546 = arith.maximumf %max3A_541, %max3A_542 : vector<16xf32>
      %max3A_547 = arith.maximumf %max3A_543, %max3A_544 : vector<16xf32>
      %max3A_548 = arith.maximumf %max3A_545, %max3A_546 : vector<16xf32>
      %max3A_549 = arith.maximumf %max3A_547, %max3A_548 : vector<16xf32>
      %sub3A_550 = arith.subf %get3A_459, %max3A_549 : vector<16xf32>
      %exp3A_551 = math.exp %sub3A_550 : vector<16xf32>
      %sub3A_552 = arith.subf %get3A_464, %max3A_549 : vector<16xf32>
      %exp3A_553 = math.exp %sub3A_552 : vector<16xf32>
      %sub3A_554 = arith.subf %get3A_469, %max3A_549 : vector<16xf32>
      %exp3A_555 = math.exp %sub3A_554 : vector<16xf32>
      %sub3A_556 = arith.subf %get3A_474, %max3A_549 : vector<16xf32>
      %exp3A_557 = math.exp %sub3A_556 : vector<16xf32>
      %sub3A_558 = arith.subf %get3A_479, %max3A_549 : vector<16xf32>
      %exp3A_559 = math.exp %sub3A_558 : vector<16xf32>
      %sub3A_560 = arith.subf %get3A_484, %max3A_549 : vector<16xf32>
      %exp3A_561 = math.exp %sub3A_560 : vector<16xf32>
      %sub3A_562 = arith.subf %get3A_489, %max3A_549 : vector<16xf32>
      %exp3A_563 = math.exp %sub3A_562 : vector<16xf32>
      %sub3A_564 = arith.subf %get3A_494, %max3A_549 : vector<16xf32>
      %exp3A_565 = math.exp %sub3A_564 : vector<16xf32>
      %sub3A_566 = arith.subf %get3A_499, %max3A_549 : vector<16xf32>
      %exp3A_567 = math.exp %sub3A_566 : vector<16xf32>
      %sub3A_568 = arith.subf %get3A_504, %max3A_549 : vector<16xf32>
      %exp3A_569 = math.exp %sub3A_568 : vector<16xf32>
      %sub3A_570 = arith.subf %get3A_509, %max3A_549 : vector<16xf32>
      %exp3A_571 = math.exp %sub3A_570 : vector<16xf32>
      %sub3A_572 = arith.subf %get3A_514, %max3A_549 : vector<16xf32>
      %exp3A_573 = math.exp %sub3A_572 : vector<16xf32>
      %sub3A_574 = arith.subf %get3A_519, %max3A_549 : vector<16xf32>
      %exp3A_575 = math.exp %sub3A_574 : vector<16xf32>
      %sub3A_576 = arith.subf %get3A_524, %max3A_549 : vector<16xf32>
      %exp3A_577 = math.exp %sub3A_576 : vector<16xf32>
      %sub3A_578 = arith.subf %get3A_529, %max3A_549 : vector<16xf32>
      %exp3A_579 = math.exp %sub3A_578 : vector<16xf32>
      %sub3A_580 = arith.subf %get3A_534, %max3A_549 : vector<16xf32>
      %exp3A_581 = math.exp %sub3A_580 : vector<16xf32>
      %add3A_582 = arith.addf %exp3A_551, %exp3A_553 : vector<16xf32>
      %add3A_583 = arith.addf %exp3A_555, %exp3A_557 : vector<16xf32>
      %add3A_584 = arith.addf %exp3A_559, %exp3A_561 : vector<16xf32>
      %add3A_585 = arith.addf %exp3A_563, %exp3A_565 : vector<16xf32>
      %add3A_586 = arith.addf %exp3A_567, %exp3A_569 : vector<16xf32>
      %add3A_587 = arith.addf %exp3A_571, %exp3A_573 : vector<16xf32>
      %add3A_588 = arith.addf %exp3A_575, %exp3A_577 : vector<16xf32>
      %add3A_589 = arith.addf %exp3A_579, %exp3A_581 : vector<16xf32>
      %add3A_590 = arith.addf %add3A_582, %add3A_583 : vector<16xf32>
      %add3A_591 = arith.addf %add3A_584, %add3A_585 : vector<16xf32>
      %add3A_592 = arith.addf %add3A_586, %add3A_587 : vector<16xf32>
      %add3A_593 = arith.addf %add3A_588, %add3A_589 : vector<16xf32>
      %add3A_594 = arith.addf %add3A_590, %add3A_591 : vector<16xf32>
      %add3A_595 = arith.addf %add3A_592, %add3A_593 : vector<16xf32>
      %add3A_596 = arith.addf %add3A_594, %add3A_595 : vector<16xf32>
      %div3A_597 = arith.divf %exp3A_551, %add3A_596 : vector<16xf32>
      %div3A_598 = arith.divf %exp3A_553, %add3A_596 : vector<16xf32>
      %div3A_599 = arith.divf %exp3A_555, %add3A_596 : vector<16xf32>
      %div3A_600 = arith.divf %exp3A_557, %add3A_596 : vector<16xf32>
      %div3A_601 = arith.divf %exp3A_559, %add3A_596 : vector<16xf32>
      %div3A_602 = arith.divf %exp3A_561, %add3A_596 : vector<16xf32>
      %div3A_603 = arith.divf %exp3A_563, %add3A_596 : vector<16xf32>
      %div3A_604 = arith.divf %exp3A_565, %add3A_596 : vector<16xf32>
      %div3A_605 = arith.divf %exp3A_567, %add3A_596 : vector<16xf32>
      %div3A_606 = arith.divf %exp3A_569, %add3A_596 : vector<16xf32>
      %div3A_607 = arith.divf %exp3A_571, %add3A_596 : vector<16xf32>
      %div3A_608 = arith.divf %exp3A_573, %add3A_596 : vector<16xf32>
      %div3A_609 = arith.divf %exp3A_575, %add3A_596 : vector<16xf32>
      %div3A_610 = arith.divf %exp3A_577, %add3A_596 : vector<16xf32>
      %div3A_611 = arith.divf %exp3A_579, %add3A_596 : vector<16xf32>
      %div3A_612 = arith.divf %exp3A_581, %add3A_596 : vector<16xf32>
      %max3A_613 = arith.maximumf %div3A_597, %div3A_598 : vector<16xf32>
      %max3A_614 = arith.maximumf %div3A_599, %div3A_600 : vector<16xf32>
      %max3A_615 = arith.maximumf %max3A_613, %max3A_614 : vector<16xf32>
      %max3A_616 = arith.maximumf %div3A_601, %div3A_602 : vector<16xf32>
      %max3A_617 = arith.maximumf %div3A_603, %div3A_604 : vector<16xf32>
      %max3A_618 = arith.maximumf %max3A_616, %max3A_617 : vector<16xf32>
      %max3A_619 = arith.maximumf %div3A_605, %div3A_606 : vector<16xf32>
      %max3A_620 = arith.maximumf %div3A_607, %div3A_608 : vector<16xf32>
      %max3A_621 = arith.maximumf %max3A_619, %max3A_620 : vector<16xf32>
      %max3A_622 = arith.maximumf %div3A_609, %div3A_610 : vector<16xf32>
      %max3A_623 = arith.maximumf %div3A_611, %div3A_612 : vector<16xf32>
      %max3A_624 = arith.maximumf %max3A_622, %max3A_623 : vector<16xf32>
      %broadcast_in_dim3A_625 = arith.constant 0 : i32
      %broadcast_in_dim3A_626 = vector.broadcast %broadcast_in_dim3A_625 : i32 to vector<16xi32>
      %broadcast_in_dim3A_627 = arith.constant 1 : i32
      %broadcast_in_dim3A_628 = vector.broadcast %broadcast_in_dim3A_627 : i32 to vector<16xi32>
      %broadcast_in_dim3A_629 = arith.constant 2 : i32
      %broadcast_in_dim3A_630 = vector.broadcast %broadcast_in_dim3A_629 : i32 to vector<16xi32>
      %broadcast_in_dim3A_631 = arith.constant 3 : i32
      %broadcast_in_dim3A_632 = vector.broadcast %broadcast_in_dim3A_631 : i32 to vector<16xi32>
      %ge3A_633 = arith.cmpf oge, %max3A_615, %max3A_618 : vector<16xf32>
      %select_n3A_634 = arith.select %ge3A_633, %max3A_615, %max3A_618 : vector<16xi1>, vector<16xf32>
      %select_n3A_635 = arith.select %ge3A_633, %broadcast_in_dim3A_626, %broadcast_in_dim3A_628 : vector<16xi1>, vector<16xi32>
      %ge3A_636 = arith.cmpf oge, %max3A_621, %max3A_624 : vector<16xf32>
      %select_n3A_637 = arith.select %ge3A_636, %max3A_621, %max3A_624 : vector<16xi1>, vector<16xf32>
      %select_n3A_638 = arith.select %ge3A_636, %broadcast_in_dim3A_630, %broadcast_in_dim3A_632 : vector<16xi1>, vector<16xi32>
      %ge3A_639 = arith.cmpf oge, %select_n3A_634, %select_n3A_637 : vector<16xf32>
      %select_n3A_640 = arith.select %ge3A_639, %select_n3A_634, %select_n3A_637 : vector<16xi1>, vector<16xf32>
      %select_n3A_641 = arith.select %ge3A_639, %select_n3A_635, %select_n3A_638 : vector<16xi1>, vector<16xi32>
      %eq3A_642 = arith.cmpi eq, %select_n3A_641, %broadcast_in_dim3A_626 : vector<16xi32>
      %select_n3A_643 = arith.select %eq3A_642, %broadcast_in_dim3A_3, %max3A_615 : vector<16xi1>, vector<16xf32>
      %eq3A_644 = arith.cmpi eq, %select_n3A_641, %broadcast_in_dim3A_628 : vector<16xi32>
      %select_n3A_645 = arith.select %eq3A_644, %broadcast_in_dim3A_3, %max3A_618 : vector<16xi1>, vector<16xf32>
      %eq3A_646 = arith.cmpi eq, %select_n3A_641, %broadcast_in_dim3A_630 : vector<16xi32>
      %select_n3A_647 = arith.select %eq3A_646, %broadcast_in_dim3A_3, %max3A_621 : vector<16xi1>, vector<16xf32>
      %eq3A_648 = arith.cmpi eq, %select_n3A_641, %broadcast_in_dim3A_632 : vector<16xi32>
      %select_n3A_649 = arith.select %eq3A_648, %broadcast_in_dim3A_3, %max3A_624 : vector<16xi1>, vector<16xf32>
      %ge3A_650 = arith.cmpf oge, %select_n3A_643, %select_n3A_645 : vector<16xf32>
      %select_n3A_651 = arith.select %ge3A_650, %select_n3A_643, %select_n3A_645 : vector<16xi1>, vector<16xf32>
      %select_n3A_652 = arith.select %ge3A_650, %broadcast_in_dim3A_626, %broadcast_in_dim3A_628 : vector<16xi1>, vector<16xi32>
      %ge3A_653 = arith.cmpf oge, %select_n3A_647, %select_n3A_649 : vector<16xf32>
      %select_n3A_654 = arith.select %ge3A_653, %select_n3A_647, %select_n3A_649 : vector<16xi1>, vector<16xf32>
      %select_n3A_655 = arith.select %ge3A_653, %broadcast_in_dim3A_630, %broadcast_in_dim3A_632 : vector<16xi1>, vector<16xi32>
      %ge3A_656 = arith.cmpf oge, %select_n3A_651, %select_n3A_654 : vector<16xf32>
      %select_n3A_657 = arith.select %ge3A_656, %select_n3A_651, %select_n3A_654 : vector<16xi1>, vector<16xf32>
      %select_n3A_658 = arith.select %ge3A_656, %select_n3A_652, %select_n3A_655 : vector<16xi1>, vector<16xi32>
      %eq3A_659 = arith.cmpi eq, %select_n3A_641, %broadcast_in_dim3A_626 : vector<16xi32>
      %eq3A_660 = arith.cmpi eq, %select_n3A_658, %broadcast_in_dim3A_626 : vector<16xi32>
      %or3A_661 = arith.ori %eq3A_659, %eq3A_660 : vector<16xi1>
      %select_n3A_662 = arith.select %or3A_661, %div3A_597, %broadcast_in_dim3A_3 : vector<16xi1>, vector<16xf32>
      %eq3A_663 = arith.cmpi eq, %select_n3A_641, %broadcast_in_dim3A_626 : vector<16xi32>
      %eq3A_664 = arith.cmpi eq, %select_n3A_658, %broadcast_in_dim3A_626 : vector<16xi32>
      %or3A_665 = arith.ori %eq3A_663, %eq3A_664 : vector<16xi1>
      %select_n3A_666 = arith.select %or3A_665, %div3A_598, %broadcast_in_dim3A_3 : vector<16xi1>, vector<16xf32>
      %eq3A_667 = arith.cmpi eq, %select_n3A_641, %broadcast_in_dim3A_626 : vector<16xi32>
      %eq3A_668 = arith.cmpi eq, %select_n3A_658, %broadcast_in_dim3A_626 : vector<16xi32>
      %or3A_669 = arith.ori %eq3A_667, %eq3A_668 : vector<16xi1>
      %select_n3A_670 = arith.select %or3A_669, %div3A_599, %broadcast_in_dim3A_3 : vector<16xi1>, vector<16xf32>
      %eq3A_671 = arith.cmpi eq, %select_n3A_641, %broadcast_in_dim3A_626 : vector<16xi32>
      %eq3A_672 = arith.cmpi eq, %select_n3A_658, %broadcast_in_dim3A_626 : vector<16xi32>
      %or3A_673 = arith.ori %eq3A_671, %eq3A_672 : vector<16xi1>
      %select_n3A_674 = arith.select %or3A_673, %div3A_600, %broadcast_in_dim3A_3 : vector<16xi1>, vector<16xf32>
      %eq3A_675 = arith.cmpi eq, %select_n3A_641, %broadcast_in_dim3A_628 : vector<16xi32>
      %eq3A_676 = arith.cmpi eq, %select_n3A_658, %broadcast_in_dim3A_628 : vector<16xi32>
      %or3A_677 = arith.ori %eq3A_675, %eq3A_676 : vector<16xi1>
      %select_n3A_678 = arith.select %or3A_677, %div3A_601, %broadcast_in_dim3A_3 : vector<16xi1>, vector<16xf32>
      %eq3A_679 = arith.cmpi eq, %select_n3A_641, %broadcast_in_dim3A_628 : vector<16xi32>
      %eq3A_680 = arith.cmpi eq, %select_n3A_658, %broadcast_in_dim3A_628 : vector<16xi32>
      %or3A_681 = arith.ori %eq3A_679, %eq3A_680 : vector<16xi1>
      %select_n3A_682 = arith.select %or3A_681, %div3A_602, %broadcast_in_dim3A_3 : vector<16xi1>, vector<16xf32>
      %eq3A_683 = arith.cmpi eq, %select_n3A_641, %broadcast_in_dim3A_628 : vector<16xi32>
      %eq3A_684 = arith.cmpi eq, %select_n3A_658, %broadcast_in_dim3A_628 : vector<16xi32>
      %or3A_685 = arith.ori %eq3A_683, %eq3A_684 : vector<16xi1>
      %select_n3A_686 = arith.select %or3A_685, %div3A_603, %broadcast_in_dim3A_3 : vector<16xi1>, vector<16xf32>
      %eq3A_687 = arith.cmpi eq, %select_n3A_641, %broadcast_in_dim3A_628 : vector<16xi32>
      %eq3A_688 = arith.cmpi eq, %select_n3A_658, %broadcast_in_dim3A_628 : vector<16xi32>
      %or3A_689 = arith.ori %eq3A_687, %eq3A_688 : vector<16xi1>
      %select_n3A_690 = arith.select %or3A_689, %div3A_604, %broadcast_in_dim3A_3 : vector<16xi1>, vector<16xf32>
      %eq3A_691 = arith.cmpi eq, %select_n3A_641, %broadcast_in_dim3A_630 : vector<16xi32>
      %eq3A_692 = arith.cmpi eq, %select_n3A_658, %broadcast_in_dim3A_630 : vector<16xi32>
      %or3A_693 = arith.ori %eq3A_691, %eq3A_692 : vector<16xi1>
      %select_n3A_694 = arith.select %or3A_693, %div3A_605, %broadcast_in_dim3A_3 : vector<16xi1>, vector<16xf32>
      %eq3A_695 = arith.cmpi eq, %select_n3A_641, %broadcast_in_dim3A_630 : vector<16xi32>
      %eq3A_696 = arith.cmpi eq, %select_n3A_658, %broadcast_in_dim3A_630 : vector<16xi32>
      %or3A_697 = arith.ori %eq3A_695, %eq3A_696 : vector<16xi1>
      %select_n3A_698 = arith.select %or3A_697, %div3A_606, %broadcast_in_dim3A_3 : vector<16xi1>, vector<16xf32>
      %eq3A_699 = arith.cmpi eq, %select_n3A_641, %broadcast_in_dim3A_630 : vector<16xi32>
      %eq3A_700 = arith.cmpi eq, %select_n3A_658, %broadcast_in_dim3A_630 : vector<16xi32>
      %or3A_701 = arith.ori %eq3A_699, %eq3A_700 : vector<16xi1>
      %select_n3A_702 = arith.select %or3A_701, %div3A_607, %broadcast_in_dim3A_3 : vector<16xi1>, vector<16xf32>
      %eq3A_703 = arith.cmpi eq, %select_n3A_641, %broadcast_in_dim3A_630 : vector<16xi32>
      %eq3A_704 = arith.cmpi eq, %select_n3A_658, %broadcast_in_dim3A_630 : vector<16xi32>
      %or3A_705 = arith.ori %eq3A_703, %eq3A_704 : vector<16xi1>
      %select_n3A_706 = arith.select %or3A_705, %div3A_608, %broadcast_in_dim3A_3 : vector<16xi1>, vector<16xf32>
      %eq3A_707 = arith.cmpi eq, %select_n3A_641, %broadcast_in_dim3A_632 : vector<16xi32>
      %eq3A_708 = arith.cmpi eq, %select_n3A_658, %broadcast_in_dim3A_632 : vector<16xi32>
      %or3A_709 = arith.ori %eq3A_707, %eq3A_708 : vector<16xi1>
      %select_n3A_710 = arith.select %or3A_709, %div3A_609, %broadcast_in_dim3A_3 : vector<16xi1>, vector<16xf32>
      %eq3A_711 = arith.cmpi eq, %select_n3A_641, %broadcast_in_dim3A_632 : vector<16xi32>
      %eq3A_712 = arith.cmpi eq, %select_n3A_658, %broadcast_in_dim3A_632 : vector<16xi32>
      %or3A_713 = arith.ori %eq3A_711, %eq3A_712 : vector<16xi1>
      %select_n3A_714 = arith.select %or3A_713, %div3A_610, %broadcast_in_dim3A_3 : vector<16xi1>, vector<16xf32>
      %eq3A_715 = arith.cmpi eq, %select_n3A_641, %broadcast_in_dim3A_632 : vector<16xi32>
      %eq3A_716 = arith.cmpi eq, %select_n3A_658, %broadcast_in_dim3A_632 : vector<16xi32>
      %or3A_717 = arith.ori %eq3A_715, %eq3A_716 : vector<16xi1>
      %select_n3A_718 = arith.select %or3A_717, %div3A_611, %broadcast_in_dim3A_3 : vector<16xi1>, vector<16xf32>
      %eq3A_719 = arith.cmpi eq, %select_n3A_641, %broadcast_in_dim3A_632 : vector<16xi32>
      %eq3A_720 = arith.cmpi eq, %select_n3A_658, %broadcast_in_dim3A_632 : vector<16xi32>
      %or3A_721 = arith.ori %eq3A_719, %eq3A_720 : vector<16xi1>
      %select_n3A_722 = arith.select %or3A_721, %div3A_612, %broadcast_in_dim3A_3 : vector<16xi1>, vector<16xf32>
      %broadcast_in_dim3A_723 = arith.constant 0 : i32
      %broadcast_in_dim3A_724 = vector.broadcast %broadcast_in_dim3A_723 : i32 to vector<16xi32>
      %broadcast_in_dim3A_725 = arith.constant 1 : i32
      %broadcast_in_dim3A_726 = vector.broadcast %broadcast_in_dim3A_725 : i32 to vector<16xi32>
      %broadcast_in_dim3A_727 = arith.constant 2 : i32
      %broadcast_in_dim3A_728 = vector.broadcast %broadcast_in_dim3A_727 : i32 to vector<16xi32>
      %broadcast_in_dim3A_729 = arith.constant 3 : i32
      %broadcast_in_dim3A_730 = vector.broadcast %broadcast_in_dim3A_729 : i32 to vector<16xi32>
      %broadcast_in_dim3A_731 = arith.constant 4 : i32
      %broadcast_in_dim3A_732 = vector.broadcast %broadcast_in_dim3A_731 : i32 to vector<16xi32>
      %broadcast_in_dim3A_733 = arith.constant 5 : i32
      %broadcast_in_dim3A_734 = vector.broadcast %broadcast_in_dim3A_733 : i32 to vector<16xi32>
      %broadcast_in_dim3A_735 = arith.constant 6 : i32
      %broadcast_in_dim3A_736 = vector.broadcast %broadcast_in_dim3A_735 : i32 to vector<16xi32>
      %broadcast_in_dim3A_737 = arith.constant 7 : i32
      %broadcast_in_dim3A_738 = vector.broadcast %broadcast_in_dim3A_737 : i32 to vector<16xi32>
      %broadcast_in_dim3A_739 = arith.constant 8 : i32
      %broadcast_in_dim3A_740 = vector.broadcast %broadcast_in_dim3A_739 : i32 to vector<16xi32>
      %broadcast_in_dim3A_741 = arith.constant 9 : i32
      %broadcast_in_dim3A_742 = vector.broadcast %broadcast_in_dim3A_741 : i32 to vector<16xi32>
      %broadcast_in_dim3A_743 = arith.constant 10 : i32
      %broadcast_in_dim3A_744 = vector.broadcast %broadcast_in_dim3A_743 : i32 to vector<16xi32>
      %broadcast_in_dim3A_745 = arith.constant 11 : i32
      %broadcast_in_dim3A_746 = vector.broadcast %broadcast_in_dim3A_745 : i32 to vector<16xi32>
      %broadcast_in_dim3A_747 = arith.constant 12 : i32
      %broadcast_in_dim3A_748 = vector.broadcast %broadcast_in_dim3A_747 : i32 to vector<16xi32>
      %broadcast_in_dim3A_749 = arith.constant 13 : i32
      %broadcast_in_dim3A_750 = vector.broadcast %broadcast_in_dim3A_749 : i32 to vector<16xi32>
      %broadcast_in_dim3A_751 = arith.constant 14 : i32
      %broadcast_in_dim3A_752 = vector.broadcast %broadcast_in_dim3A_751 : i32 to vector<16xi32>
      %broadcast_in_dim3A_753 = arith.constant 15 : i32
      %broadcast_in_dim3A_754 = vector.broadcast %broadcast_in_dim3A_753 : i32 to vector<16xi32>
      %ge3A_755 = arith.cmpf oge, %select_n3A_662, %select_n3A_666 : vector<16xf32>
      %select_n3A_756 = arith.select %ge3A_755, %select_n3A_662, %select_n3A_666 : vector<16xi1>, vector<16xf32>
      %select_n3A_757 = arith.select %ge3A_755, %broadcast_in_dim3A_724, %broadcast_in_dim3A_726 : vector<16xi1>, vector<16xi32>
      %ge3A_758 = arith.cmpf oge, %select_n3A_670, %select_n3A_674 : vector<16xf32>
      %select_n3A_759 = arith.select %ge3A_758, %select_n3A_670, %select_n3A_674 : vector<16xi1>, vector<16xf32>
      %select_n3A_760 = arith.select %ge3A_758, %broadcast_in_dim3A_728, %broadcast_in_dim3A_730 : vector<16xi1>, vector<16xi32>
      %ge3A_761 = arith.cmpf oge, %select_n3A_678, %select_n3A_682 : vector<16xf32>
      %select_n3A_762 = arith.select %ge3A_761, %select_n3A_678, %select_n3A_682 : vector<16xi1>, vector<16xf32>
      %select_n3A_763 = arith.select %ge3A_761, %broadcast_in_dim3A_732, %broadcast_in_dim3A_734 : vector<16xi1>, vector<16xi32>
      %ge3A_764 = arith.cmpf oge, %select_n3A_686, %select_n3A_690 : vector<16xf32>
      %select_n3A_765 = arith.select %ge3A_764, %select_n3A_686, %select_n3A_690 : vector<16xi1>, vector<16xf32>
      %select_n3A_766 = arith.select %ge3A_764, %broadcast_in_dim3A_736, %broadcast_in_dim3A_738 : vector<16xi1>, vector<16xi32>
      %ge3A_767 = arith.cmpf oge, %select_n3A_694, %select_n3A_698 : vector<16xf32>
      %select_n3A_768 = arith.select %ge3A_767, %select_n3A_694, %select_n3A_698 : vector<16xi1>, vector<16xf32>
      %select_n3A_769 = arith.select %ge3A_767, %broadcast_in_dim3A_740, %broadcast_in_dim3A_742 : vector<16xi1>, vector<16xi32>
      %ge3A_770 = arith.cmpf oge, %select_n3A_702, %select_n3A_706 : vector<16xf32>
      %select_n3A_771 = arith.select %ge3A_770, %select_n3A_702, %select_n3A_706 : vector<16xi1>, vector<16xf32>
      %select_n3A_772 = arith.select %ge3A_770, %broadcast_in_dim3A_744, %broadcast_in_dim3A_746 : vector<16xi1>, vector<16xi32>
      %ge3A_773 = arith.cmpf oge, %select_n3A_710, %select_n3A_714 : vector<16xf32>
      %select_n3A_774 = arith.select %ge3A_773, %select_n3A_710, %select_n3A_714 : vector<16xi1>, vector<16xf32>
      %select_n3A_775 = arith.select %ge3A_773, %broadcast_in_dim3A_748, %broadcast_in_dim3A_750 : vector<16xi1>, vector<16xi32>
      %ge3A_776 = arith.cmpf oge, %select_n3A_718, %select_n3A_722 : vector<16xf32>
      %select_n3A_777 = arith.select %ge3A_776, %select_n3A_718, %select_n3A_722 : vector<16xi1>, vector<16xf32>
      %select_n3A_778 = arith.select %ge3A_776, %broadcast_in_dim3A_752, %broadcast_in_dim3A_754 : vector<16xi1>, vector<16xi32>
      %ge3A_779 = arith.cmpf oge, %select_n3A_756, %select_n3A_759 : vector<16xf32>
      %select_n3A_780 = arith.select %ge3A_779, %select_n3A_756, %select_n3A_759 : vector<16xi1>, vector<16xf32>
      %select_n3A_781 = arith.select %ge3A_779, %select_n3A_757, %select_n3A_760 : vector<16xi1>, vector<16xi32>
      %ge3A_782 = arith.cmpf oge, %select_n3A_762, %select_n3A_765 : vector<16xf32>
      %select_n3A_783 = arith.select %ge3A_782, %select_n3A_762, %select_n3A_765 : vector<16xi1>, vector<16xf32>
      %select_n3A_784 = arith.select %ge3A_782, %select_n3A_763, %select_n3A_766 : vector<16xi1>, vector<16xi32>
      %ge3A_785 = arith.cmpf oge, %select_n3A_768, %select_n3A_771 : vector<16xf32>
      %select_n3A_786 = arith.select %ge3A_785, %select_n3A_768, %select_n3A_771 : vector<16xi1>, vector<16xf32>
      %select_n3A_787 = arith.select %ge3A_785, %select_n3A_769, %select_n3A_772 : vector<16xi1>, vector<16xi32>
      %ge3A_788 = arith.cmpf oge, %select_n3A_774, %select_n3A_777 : vector<16xf32>
      %select_n3A_789 = arith.select %ge3A_788, %select_n3A_774, %select_n3A_777 : vector<16xi1>, vector<16xf32>
      %select_n3A_790 = arith.select %ge3A_788, %select_n3A_775, %select_n3A_778 : vector<16xi1>, vector<16xi32>
      %ge3A_791 = arith.cmpf oge, %select_n3A_780, %select_n3A_783 : vector<16xf32>
      %select_n3A_792 = arith.select %ge3A_791, %select_n3A_780, %select_n3A_783 : vector<16xi1>, vector<16xf32>
      %select_n3A_793 = arith.select %ge3A_791, %select_n3A_781, %select_n3A_784 : vector<16xi1>, vector<16xi32>
      %ge3A_794 = arith.cmpf oge, %select_n3A_786, %select_n3A_789 : vector<16xf32>
      %select_n3A_795 = arith.select %ge3A_794, %select_n3A_786, %select_n3A_789 : vector<16xi1>, vector<16xf32>
      %select_n3A_796 = arith.select %ge3A_794, %select_n3A_787, %select_n3A_790 : vector<16xi1>, vector<16xi32>
      %ge3A_797 = arith.cmpf oge, %select_n3A_792, %select_n3A_795 : vector<16xf32>
      %select_n3A_798 = arith.select %ge3A_797, %select_n3A_792, %select_n3A_795 : vector<16xi1>, vector<16xf32>
      %select_n3A_799 = arith.select %ge3A_797, %select_n3A_793, %select_n3A_796 : vector<16xi1>, vector<16xi32>
      %eq3A_800 = arith.cmpi eq, %select_n3A_799, %broadcast_in_dim3A_724 : vector<16xi32>
      %select_n3A_801 = arith.select %eq3A_800, %broadcast_in_dim3A_3, %select_n3A_662 : vector<16xi1>, vector<16xf32>
      %eq3A_802 = arith.cmpi eq, %select_n3A_799, %broadcast_in_dim3A_726 : vector<16xi32>
      %select_n3A_803 = arith.select %eq3A_802, %broadcast_in_dim3A_3, %select_n3A_666 : vector<16xi1>, vector<16xf32>
      %eq3A_804 = arith.cmpi eq, %select_n3A_799, %broadcast_in_dim3A_728 : vector<16xi32>
      %select_n3A_805 = arith.select %eq3A_804, %broadcast_in_dim3A_3, %select_n3A_670 : vector<16xi1>, vector<16xf32>
      %eq3A_806 = arith.cmpi eq, %select_n3A_799, %broadcast_in_dim3A_730 : vector<16xi32>
      %select_n3A_807 = arith.select %eq3A_806, %broadcast_in_dim3A_3, %select_n3A_674 : vector<16xi1>, vector<16xf32>
      %eq3A_808 = arith.cmpi eq, %select_n3A_799, %broadcast_in_dim3A_732 : vector<16xi32>
      %select_n3A_809 = arith.select %eq3A_808, %broadcast_in_dim3A_3, %select_n3A_678 : vector<16xi1>, vector<16xf32>
      %eq3A_810 = arith.cmpi eq, %select_n3A_799, %broadcast_in_dim3A_734 : vector<16xi32>
      %select_n3A_811 = arith.select %eq3A_810, %broadcast_in_dim3A_3, %select_n3A_682 : vector<16xi1>, vector<16xf32>
      %eq3A_812 = arith.cmpi eq, %select_n3A_799, %broadcast_in_dim3A_736 : vector<16xi32>
      %select_n3A_813 = arith.select %eq3A_812, %broadcast_in_dim3A_3, %select_n3A_686 : vector<16xi1>, vector<16xf32>
      %eq3A_814 = arith.cmpi eq, %select_n3A_799, %broadcast_in_dim3A_738 : vector<16xi32>
      %select_n3A_815 = arith.select %eq3A_814, %broadcast_in_dim3A_3, %select_n3A_690 : vector<16xi1>, vector<16xf32>
      %eq3A_816 = arith.cmpi eq, %select_n3A_799, %broadcast_in_dim3A_740 : vector<16xi32>
      %select_n3A_817 = arith.select %eq3A_816, %broadcast_in_dim3A_3, %select_n3A_694 : vector<16xi1>, vector<16xf32>
      %eq3A_818 = arith.cmpi eq, %select_n3A_799, %broadcast_in_dim3A_742 : vector<16xi32>
      %select_n3A_819 = arith.select %eq3A_818, %broadcast_in_dim3A_3, %select_n3A_698 : vector<16xi1>, vector<16xf32>
      %eq3A_820 = arith.cmpi eq, %select_n3A_799, %broadcast_in_dim3A_744 : vector<16xi32>
      %select_n3A_821 = arith.select %eq3A_820, %broadcast_in_dim3A_3, %select_n3A_702 : vector<16xi1>, vector<16xf32>
      %eq3A_822 = arith.cmpi eq, %select_n3A_799, %broadcast_in_dim3A_746 : vector<16xi32>
      %select_n3A_823 = arith.select %eq3A_822, %broadcast_in_dim3A_3, %select_n3A_706 : vector<16xi1>, vector<16xf32>
      %eq3A_824 = arith.cmpi eq, %select_n3A_799, %broadcast_in_dim3A_748 : vector<16xi32>
      %select_n3A_825 = arith.select %eq3A_824, %broadcast_in_dim3A_3, %select_n3A_710 : vector<16xi1>, vector<16xf32>
      %eq3A_826 = arith.cmpi eq, %select_n3A_799, %broadcast_in_dim3A_750 : vector<16xi32>
      %select_n3A_827 = arith.select %eq3A_826, %broadcast_in_dim3A_3, %select_n3A_714 : vector<16xi1>, vector<16xf32>
      %eq3A_828 = arith.cmpi eq, %select_n3A_799, %broadcast_in_dim3A_752 : vector<16xi32>
      %select_n3A_829 = arith.select %eq3A_828, %broadcast_in_dim3A_3, %select_n3A_718 : vector<16xi1>, vector<16xf32>
      %eq3A_830 = arith.cmpi eq, %select_n3A_799, %broadcast_in_dim3A_754 : vector<16xi32>
      %select_n3A_831 = arith.select %eq3A_830, %broadcast_in_dim3A_3, %select_n3A_722 : vector<16xi1>, vector<16xf32>
      %ge3A_832 = arith.cmpf oge, %select_n3A_801, %select_n3A_803 : vector<16xf32>
      %select_n3A_833 = arith.select %ge3A_832, %select_n3A_801, %select_n3A_803 : vector<16xi1>, vector<16xf32>
      %select_n3A_834 = arith.select %ge3A_832, %broadcast_in_dim3A_724, %broadcast_in_dim3A_726 : vector<16xi1>, vector<16xi32>
      %ge3A_835 = arith.cmpf oge, %select_n3A_805, %select_n3A_807 : vector<16xf32>
      %select_n3A_836 = arith.select %ge3A_835, %select_n3A_805, %select_n3A_807 : vector<16xi1>, vector<16xf32>
      %select_n3A_837 = arith.select %ge3A_835, %broadcast_in_dim3A_728, %broadcast_in_dim3A_730 : vector<16xi1>, vector<16xi32>
      %ge3A_838 = arith.cmpf oge, %select_n3A_809, %select_n3A_811 : vector<16xf32>
      %select_n3A_839 = arith.select %ge3A_838, %select_n3A_809, %select_n3A_811 : vector<16xi1>, vector<16xf32>
      %select_n3A_840 = arith.select %ge3A_838, %broadcast_in_dim3A_732, %broadcast_in_dim3A_734 : vector<16xi1>, vector<16xi32>
      %ge3A_841 = arith.cmpf oge, %select_n3A_813, %select_n3A_815 : vector<16xf32>
      %select_n3A_842 = arith.select %ge3A_841, %select_n3A_813, %select_n3A_815 : vector<16xi1>, vector<16xf32>
      %select_n3A_843 = arith.select %ge3A_841, %broadcast_in_dim3A_736, %broadcast_in_dim3A_738 : vector<16xi1>, vector<16xi32>
      %ge3A_844 = arith.cmpf oge, %select_n3A_817, %select_n3A_819 : vector<16xf32>
      %select_n3A_845 = arith.select %ge3A_844, %select_n3A_817, %select_n3A_819 : vector<16xi1>, vector<16xf32>
      %select_n3A_846 = arith.select %ge3A_844, %broadcast_in_dim3A_740, %broadcast_in_dim3A_742 : vector<16xi1>, vector<16xi32>
      %ge3A_847 = arith.cmpf oge, %select_n3A_821, %select_n3A_823 : vector<16xf32>
      %select_n3A_848 = arith.select %ge3A_847, %select_n3A_821, %select_n3A_823 : vector<16xi1>, vector<16xf32>
      %select_n3A_849 = arith.select %ge3A_847, %broadcast_in_dim3A_744, %broadcast_in_dim3A_746 : vector<16xi1>, vector<16xi32>
      %ge3A_850 = arith.cmpf oge, %select_n3A_825, %select_n3A_827 : vector<16xf32>
      %select_n3A_851 = arith.select %ge3A_850, %select_n3A_825, %select_n3A_827 : vector<16xi1>, vector<16xf32>
      %select_n3A_852 = arith.select %ge3A_850, %broadcast_in_dim3A_748, %broadcast_in_dim3A_750 : vector<16xi1>, vector<16xi32>
      %ge3A_853 = arith.cmpf oge, %select_n3A_829, %select_n3A_831 : vector<16xf32>
      %select_n3A_854 = arith.select %ge3A_853, %select_n3A_829, %select_n3A_831 : vector<16xi1>, vector<16xf32>
      %select_n3A_855 = arith.select %ge3A_853, %broadcast_in_dim3A_752, %broadcast_in_dim3A_754 : vector<16xi1>, vector<16xi32>
      %ge3A_856 = arith.cmpf oge, %select_n3A_833, %select_n3A_836 : vector<16xf32>
      %select_n3A_857 = arith.select %ge3A_856, %select_n3A_833, %select_n3A_836 : vector<16xi1>, vector<16xf32>
      %select_n3A_858 = arith.select %ge3A_856, %select_n3A_834, %select_n3A_837 : vector<16xi1>, vector<16xi32>
      %ge3A_859 = arith.cmpf oge, %select_n3A_839, %select_n3A_842 : vector<16xf32>
      %select_n3A_860 = arith.select %ge3A_859, %select_n3A_839, %select_n3A_842 : vector<16xi1>, vector<16xf32>
      %select_n3A_861 = arith.select %ge3A_859, %select_n3A_840, %select_n3A_843 : vector<16xi1>, vector<16xi32>
      %ge3A_862 = arith.cmpf oge, %select_n3A_845, %select_n3A_848 : vector<16xf32>
      %select_n3A_863 = arith.select %ge3A_862, %select_n3A_845, %select_n3A_848 : vector<16xi1>, vector<16xf32>
      %select_n3A_864 = arith.select %ge3A_862, %select_n3A_846, %select_n3A_849 : vector<16xi1>, vector<16xi32>
      %ge3A_865 = arith.cmpf oge, %select_n3A_851, %select_n3A_854 : vector<16xf32>
      %select_n3A_866 = arith.select %ge3A_865, %select_n3A_851, %select_n3A_854 : vector<16xi1>, vector<16xf32>
      %select_n3A_867 = arith.select %ge3A_865, %select_n3A_852, %select_n3A_855 : vector<16xi1>, vector<16xi32>
      %ge3A_868 = arith.cmpf oge, %select_n3A_857, %select_n3A_860 : vector<16xf32>
      %select_n3A_869 = arith.select %ge3A_868, %select_n3A_857, %select_n3A_860 : vector<16xi1>, vector<16xf32>
      %select_n3A_870 = arith.select %ge3A_868, %select_n3A_858, %select_n3A_861 : vector<16xi1>, vector<16xi32>
      %ge3A_871 = arith.cmpf oge, %select_n3A_863, %select_n3A_866 : vector<16xf32>
      %select_n3A_872 = arith.select %ge3A_871, %select_n3A_863, %select_n3A_866 : vector<16xi1>, vector<16xf32>
      %select_n3A_873 = arith.select %ge3A_871, %select_n3A_864, %select_n3A_867 : vector<16xi1>, vector<16xi32>
      %ge3A_874 = arith.cmpf oge, %select_n3A_869, %select_n3A_872 : vector<16xf32>
      %select_n3A_875 = arith.select %ge3A_874, %select_n3A_869, %select_n3A_872 : vector<16xi1>, vector<16xf32>
      %select_n3A_876 = arith.select %ge3A_874, %select_n3A_870, %select_n3A_873 : vector<16xi1>, vector<16xi32>
      %swap3A_877 = arith.constant 0 : i32
      %swap3A_878 = arith.index_cast %swap3A_877 : i32 to index
      %swap3A_879 = arith.index_cast %multiple_of3A_454 : i32 to index
      %swap3A_880 = tpu.vector_load %arg6[%swap3A_878, %swap3A_879] {strides = array<i32>} : memref<2x1024xf32, #tpu.memory_space<vmem>>, vector<1x16xf32>,
      %swap3A_881 = vector.shape_cast %swap3A_880 : vector<1x16xf32> to vector<16xf32>
      %swap3A_882 = vector.shape_cast %select_n3A_798 : vector<16xf32> to vector<1x16xf32>
      tpu.vector_store %arg6[%swap3A_878, %swap3A_879], %swap3A_882 {strides = array<i32>} : memref<2x1024xf32, #tpu.memory_space<vmem>>, vector<1x16xf32>,
      %swap3A_883 = arith.constant 1 : i32
      %swap3A_884 = arith.index_cast %swap3A_883 : i32 to index
      %swap3A_885 = arith.index_cast %multiple_of3A_454 : i32 to index
      %swap3A_886 = tpu.vector_load %arg6[%swap3A_884, %swap3A_885] {strides = array<i32>} : memref<2x1024xf32, #tpu.memory_space<vmem>>, vector<1x16xf32>,
      %swap3A_887 = vector.shape_cast %swap3A_886 : vector<1x16xf32> to vector<16xf32>
      %swap3A_888 = vector.shape_cast %select_n3A_875 : vector<16xf32> to vector<1x16xf32>
      tpu.vector_store %arg6[%swap3A_884, %swap3A_885], %swap3A_888 {strides = array<i32>} : memref<2x1024xf32, #tpu.memory_space<vmem>>, vector<1x16xf32>,
      %swap3A_889 = arith.constant 0 : i32
      %swap3A_890 = arith.index_cast %swap3A_889 : i32 to index
      %swap3A_891 = arith.index_cast %multiple_of3A_454 : i32 to index
      %swap3A_892 = tpu.vector_load %arg7[%swap3A_890, %swap3A_891] {strides = array<i32>} : memref<2x1024xi32, #tpu.memory_space<vmem>>, vector<1x16xi32>,
      %swap3A_893 = vector.shape_cast %swap3A_892 : vector<1x16xi32> to vector<16xi32>
      %swap3A_894 = vector.shape_cast %select_n3A_799 : vector<16xi32> to vector<1x16xi32>
      tpu.vector_store %arg7[%swap3A_890, %swap3A_891], %swap3A_894 {strides = array<i32>} : memref<2x1024xi32, #tpu.memory_space<vmem>>, vector<1x16xi32>,
      %swap3A_895 = arith.constant 1 : i32
      %swap3A_896 = arith.index_cast %swap3A_895 : i32 to index
      %swap3A_897 = arith.index_cast %multiple_of3A_454 : i32 to index
      %swap3A_898 = tpu.vector_load %arg7[%swap3A_896, %swap3A_897] {strides = array<i32>} : memref<2x1024xi32, #tpu.memory_space<vmem>>, vector<1x16xi32>,
      %swap3A_899 = vector.shape_cast %swap3A_898 : vector<1x16xi32> to vector<16xi32>
      %swap3A_900 = vector.shape_cast %select_n3A_876 : vector<16xi32> to vector<1x16xi32>
      tpu.vector_store %arg7[%swap3A_896, %swap3A_897], %swap3A_900 {strides = array<i32>} : memref<2x1024xi32, #tpu.memory_space<vmem>>, vector<1x16xi32>,
    }
    %scan3A_8 = arith.constant 32 : i32
    "tpu.region"() ({
      %run_scoped3A = tpu.sem_alloc : memref<!tpu.dma_semaphore, #tpu.memory_space<semaphore_mem>>
      %dma_start3A = arith.constant 0 : i32
      %dma_start3A_9 = tpu.memref_slice %arg3[%dma_start3A, %mul3A_2] : memref<2x32768xf32, #tpu.memory_space<hbm>> -> memref<2x1024xf32, #tpu.memory_space<hbm>>
      %dma_start3A_10 = arith.constant 0 : i32
      %dma_start3A_11 = tpu.memref_slice %arg3[%dma_start3A_10, %mul3A_2] : memref<2x32768xf32, #tpu.memory_space<hbm>> -> memref<2x1024xf32, #tpu.memory_space<hbm>>
      tpu.enqueue_dma source(%arg6 : memref<2x1024xf32, #tpu.memory_space<vmem>>) target(%dma_start3A_11 : memref<2x1024xf32, #tpu.memory_space<hbm>>) target_semaphore(%run_scoped3A : memref<!tpu.dma_semaphore, #tpu.memory_space<semaphore_mem>>)
      %dma_wait3A = arith.constant 0 : i32
      %dma_wait3A_12 = tpu.memref_slice %arg3[%dma_wait3A, %mul3A_2] : memref<2x32768xf32, #tpu.memory_space<hbm>> -> memref<2x1024xf32, #tpu.memory_space<hbm>>
      %dma_wait3A_13 = arith.constant 0 : i32
      %dma_wait3A_14 = tpu.memref_slice %arg3[%dma_wait3A_13, %mul3A_2] : memref<2x32768xf32, #tpu.memory_space<hbm>> -> memref<2x1024xf32, #tpu.memory_space<hbm>>
      tpu.wait_dma2 semaphore(%run_scoped3A : memref<!tpu.dma_semaphore, #tpu.memory_space<semaphore_mem>>) src(%arg6 : memref<2x1024xf32, #tpu.memory_space<vmem>>) dst(%dma_wait3A_14 : memref<2x1024xf32, #tpu.memory_space<hbm>>)
      tpu.yield
    }) : () -> ()
    "tpu.region"() ({
      %run_scoped3A = tpu.sem_alloc : memref<!tpu.dma_semaphore, #tpu.memory_space<semaphore_mem>>
      %dma_start3A = arith.constant 0 : i32
      %dma_start3A_9 = tpu.memref_slice %arg4[%dma_start3A, %mul3A_2] : memref<2x32768xi32, #tpu.memory_space<hbm>> -> memref<2x1024xi32, #tpu.memory_space<hbm>>
      %dma_start3A_10 = arith.constant 0 : i32
      %dma_start3A_11 = tpu.memref_slice %arg4[%dma_start3A_10, %mul3A_2] : memref<2x32768xi32, #tpu.memory_space<hbm>> -> memref<2x1024xi32, #tpu.memory_space<hbm>>
      tpu.enqueue_dma source(%arg7 : memref<2x1024xi32, #tpu.memory_space<vmem>>) target(%dma_start3A_11 : memref<2x1024xi32, #tpu.memory_space<hbm>>) target_semaphore(%run_scoped3A : memref<!tpu.dma_semaphore, #tpu.memory_space<semaphore_mem>>)
      %dma_wait3A = arith.constant 0 : i32
      %dma_wait3A_12 = tpu.memref_slice %arg4[%dma_wait3A, %mul3A_2] : memref<2x32768xi32, #tpu.memory_space<hbm>> -> memref<2x1024xi32, #tpu.memory_space<hbm>>
      %dma_wait3A_13 = arith.constant 0 : i32
      %dma_wait3A_14 = tpu.memref_slice %arg4[%dma_wait3A_13, %mul3A_2] : memref<2x32768xi32, #tpu.memory_space<hbm>> -> memref<2x1024xi32, #tpu.memory_space<hbm>>
      tpu.wait_dma2 semaphore(%run_scoped3A : memref<!tpu.dma_semaphore, #tpu.memory_space<semaphore_mem>>) src(%arg7 : memref<2x1024xi32, #tpu.memory_space<vmem>>) dst(%dma_wait3A_14 : memref<2x1024xi32, #tpu.memory_space<hbm>>)
      tpu.yield
    }) : () -> ()
    return
  }
}

module attributes {stable_mosaic.version = 14 : i64} {
  func.func @_scores_kernel(%arg0: i32, %arg1: memref<16x2048xf32, #tpu.memory_space<vmem>>, %arg2: memref<1024x2048xf32, #tpu.memory_space<vmem>>, %arg3: memref<16x1024xf32, #tpu.memory_space<vmem>>) attributes {dimension_semantics = [#tpu.dimension_semantics<arbitrary>], iteration_bounds = array<i64: 32>, scalar_prefetch = 0 : i64, scratch_operands = 0 : i64, tpu.core_type = #tpu.core_type<tc>, window_params = [{pipeline_mode = #tpu.pipeline_mode<synchronous>, transform_indices = @transform_0, window_bounds = array<i64: 16, 2048>}, {transform_indices = @transform_1, window_bounds = array<i64: 1024, 2048>}, {transform_indices = @transform_2, window_bounds = array<i64: 16, 1024>}]} {
    %get3A = arith.constant 0 : index
    %get3A_0 = arith.constant 0 : index
    %get3A_1 = vector.load %arg1[%get3A, %get3A_0] : memref<16x2048xf32, #tpu.memory_space<vmem>>, vector<16x2048xf32>
    %get3A_2 = arith.constant 0 : index
    %get3A_3 = arith.constant 0 : index
    %get3A_4 = vector.load %arg2[%get3A_2, %get3A_3] : memref<1024x2048xf32, #tpu.memory_space<vmem>>, vector<1024x2048xf32>
    %dot_general3A = arith.constant dense<0.000000e+00> : vector<16x1024xf32>
    %dot_general3A_5 = tpu.matmul %get3A_1, %get3A_4, %dot_general3A {dimension_numbers = #tpu.dot_dimension_numbers<[1], [1], [0], [0], [0, 0, 1, 0], [], []>, transpose_lhs_hint = false} : vector<16x2048xf32>, vector<1024x2048xf32>, vector<16x1024xf32> -> vector<16x1024xf32>
    %swap3A = arith.constant 0 : index
    %swap3A_6 = arith.constant 0 : index
    %swap3A_7 = vector.load %arg3[%swap3A, %swap3A_6] : memref<16x1024xf32, #tpu.memory_space<vmem>>, vector<16x1024xf32>
    tpu.vector_store %arg3[%swap3A, %swap3A_6], %dot_general3A_5 {strides = array<i32>} : memref<16x1024xf32, #tpu.memory_space<vmem>>, vector<16x1024xf32>,
    return
  }
  func.func @transform_0(%arg0: i32) -> (i32, i32) {
    %c0_i32 = arith.constant 0 : i32
    %c0_i32_0 = arith.constant 0 : i32
    %c0_i32_1 = arith.constant 0 : i32
    return %c0_i32, %c0_i32_0 : i32, i32
  }
  func.func @transform_1(%arg0: i32) -> (i32, i32) {
    %c0_i32 = arith.constant 0 : i32
    %c0_i32_0 = arith.constant 0 : i32
    return %arg0, %c0_i32 : i32, i32
  }
  func.func @transform_2(%arg0: i32) -> (i32, i32) {
    %c0_i32 = arith.constant 0 : i32
    %c0_i32_0 = arith.constant 0 : i32
    return %c0_i32, %arg0 : i32, i32
  }
}

</mosaic_0001>

<sc_bundles>
// kernel: kernel.4.cloned.1.call-start
scs
__scs_entry_jumppad:
0x0: {  	(pc) =	sbr.rel $0x88, $3  }
0x1: {  	(tag) =	ssettag $0x0;
	lr =	simm.s32 $0x1  }
0x2: {  	[smem:$0x3F9F] =	sst lr;
	_ =	strace $0xD0000000  }
0x3: {  	_ = 	snop  }
0x4: {  	_ = 	snop  }
0x5: {  	_ = 	snop  }
0x6: {  	_ = 	snop  }
0x7: {  	_ = 	snop  }
__scs_overlays_trampoline_lowered:
0x8: {  	[smem:$0x3FAE] =	sst s0  }
0x9: {  	[smem:$0x3FAF] =	sst s1  }
0xa: {  	[smem:$0x3FB0] =	sst s2  }
0xb: {  	[smem:$0x3FB1] =	sst s3  }
0xc: {  	[smem:$0x3FB2] =	sst s4  }
0xd: {  	[smem:$0x3FB3] =	sst s5  }
0xe: {  	[smem:$0x3FB4] =	sst s6  }
0xf: {  	[smem:$0x3FB5] =	sst s7  }
0x10: {  	[smem:$0x3FB6] =	sst s8  }
0x11: {  	[smem:$0x3FB7] =	sst s9;
	s0 =	simm.s32 @!p0 $0x0  }
0x12: {  	s1 =	sld [smem:$0x3F9D];
	s0 =	simm.s32 @p0 $0x1  }
0x13: {  	[smem:$0x3FB8] =	sst s0;
	s0 =	simm.s32 @!p1 $0x0  }
0x14: {  	s2 =	sld [smem:$0x3F9C];
	s0 =	simm.s32 @p1 $0x1  }
0x15: {  	[smem:$0x3FB9] =	sst s0;
	s0 =	simm.s32 @!p2 $0x0  }
0x16: {  	s3 =	sld [smem:$0x3FDB];
	s0 =	simm.s32 @p2 $0x1  }
0x17: {  	s4 =	simm.s32 $0x1BF5;
	[smem:$0x3FBB] =	sst s0  }
0x18: {  	s0 =	sld [smem:$0x3F9E];
	_ =	swait.ge [sflag:s4], $0x0  }
0x19: {  	s7 =	sld [smem:$0x3F9F]  }
0x1a: {  	s8 =	sadd.s32 $0xFFFFE003, lr  }
0x1b: {  	s9 =	sadd.s32 $0xFFFFFEF7, lr;
	s5 =	simm.s32 $0xFFFFFFFF;
	p2 =	slt.u32 s8, $0xFFFFF086  }
0x1c: {  	p1 =	slt.u32 s9, $0xF7A;
	s5 =	simm.s32 @!p2 $0x0  }
0x1d: {  	s5 =	simm.s32 @p1 $0x1;
	p0 =	seq.s32 s7, s2  }
0x1e: {  	s7 =	smul.u32 @!p0 $0xF7A, s2;
	p2 =	seq.s32 @!p0 s5, $0x0  }
0x1f: {  	s9 =	smul.u32 $0xF7A, s1;
	s8 =	simm.s32 @!p0 $0x1BF5;
	p2 =	por !p2, p0  }
0x20: {  	[sflag:s8] =	ssyncset.s32 @!p0 $0xFFFFF086;
	s6 =	sadd.s32 @!p0 s3, s7;
	s7 =	simm.s32 @!p0 $0x108  }
0x21: {  	s3 =	sadd.s32 s3, s9;
	s6 =	sadd.s32 @!p0 $0x88, s6;
	s7 =	simm.s32 @p2 $0x1082  }
0x22: {  	[simem:s7], [sflag:s8] =	dma.local @!p0 [hbm:s6], $0xF7A  }
0x23: {  	s9 =	sor.u32 $0xD0000000, s2;
	s6 =	simm.s32 $0x108;
	_ =	swait.ge @!p0 [sflag:s8], $0x0  }
0x24: {  	s3 =	sadd.s32 $0x88, s3;
	s6 =	simm.s32 @!p1 $0x1082;
	[sflag:s4] =	ssyncset.s32 $0xFFFFF086  }
0x25: {  	[simem:s6], [sflag:s4] =	dma.local [hbm:s3], $0xF7A  }
0x26: {  	[smem:$0x3F9F] =	sst s1;
	(tag) =	ssettag s2;
	_ =	strace s9  }
0x27: {  	s1 =	sld [smem:$0x3FAF]  }
0x28: {  	s2 =	sld [smem:$0x3FB0]  }
0x29: {  	s4 =	sld [smem:$0x3FB2]  }
0x2a: {  	p0 =	seq.s32 s5, $0x0;
	s5 =	sld [smem:$0x3FB3]  }
0x2b: {  	s6 =	sld [smem:$0x3FB4]  }
0x2c: {  	s7 =	sld [smem:$0x3FB5]  }
0x2d: {  	s3 =	simm.s32 $0x108;
	s8 =	sld [smem:$0x3FB6]  }
0x2e: {  	s3 =	simm.s32 @!p0 $0x1082;
	s9 =	sld [smem:$0x3FB7]  }
0x2f: {  	lr =	sadd.s32 s0, s3;
	s0 =	sld [smem:$0x3FAE]  }
0x30: {  	s3 =	sld [smem:$0x3FB1]  }
0x31: {  	[smem:$0x3FBA] =	sst s10  }
0x32: {  	s10 =	sld [smem:$0x3FB8];
	_ =	sdelay $0x3  }
0x33: {  	p0 =	seq.s32 s10, $0x1;
	s10 =	sld [smem:$0x3FBA];
	_ =	sdelay $0x3  }
0x34: {  	[smem:$0x3FBA] =	sst s10  }
0x35: {  	s10 =	sld [smem:$0x3FB9];
	_ =	sdelay $0x3  }
0x36: {  	p1 =	seq.s32 s10, $0x1;
	s10 =	sld [smem:$0x3FBA];
	_ =	sdelay $0x3  }
0x37: {  	[smem:$0x3FBA] =	sst s10  }
0x38: {  	s10 =	sld [smem:$0x3FBB]  }
0x39: {  	_ = 	snop;
	(pc) =	sbr.ind lr, $3  }
0x3a: {  	_ = 	snop  }
0x3b: {  	_ = 	snop  }
0x3c: {  	p2 =	seq.s32 s10, $0x1;
	s10 =	sld [smem:$0x3FBA]  }
0x3d: {  	_ =	shalt  }
0x3e: {  	_ =	shalt  }
0x3f: {  	_ =	shalt  }
0x40: {  	_ =	shalt  }
0x41: {  	_ =	shalt  }
0x42: {  	_ =	shalt  }
0x43: {  	_ =	shalt  }
0x44: {  	_ =	shalt  }
0x45: {  	_ =	shalt  }
0x46: {  	_ =	shalt  }
0x47: {  	_ =	shalt  }
0x48: {  	_ =	shalt  }
0x49: {  	_ =	shalt  }
0x4a: {  	_ =	shalt  }
0x4b: {  	_ =	shalt  }
0x4c: {  	_ =	shalt  }
0x4d: {  	_ =	shalt  }
0x4e: {  	_ =	shalt  }
0x4f: {  	_ =	shalt  }
0x50: {  	_ =	shalt  }
0x51: {  	_ =	shalt  }
0x52: {  	_ =	shalt  }
0x53: {  	_ =	shalt  }
0x54: {  	_ =	shalt  }
0x55: {  	_ =	shalt  }
0x56: {  	_ =	shalt  }
0x57: {  	_ =	shalt  }
0x58: {  	_ =	shalt  }
0x59: {  	_ =	shalt  }
0x5a: {  	_ =	shalt  }
0x5b: {  	_ =	shalt  }
0x5c: {  	_ =	shalt  }
0x5d: {  	_ =	shalt  }
0x5e: {  	_ =	shalt  }
0x5f: {  	_ =	shalt  }
0x60: {  	_ =	shalt  }
0x61: {  	_ =	shalt  }
0x62: {  	_ =	shalt  }
0x63: {  	_ =	shalt  }
0x64: {  	_ =	shalt  }
0x65: {  	_ =	shalt  }
0x66: {  	_ =	shalt  }
0x67: {  	_ =	shalt  }
0x68: {  	_ =	shalt  }
0x69: {  	_ =	shalt  }
0x6a: {  	_ =	shalt  }
0x6b: {  	_ =	shalt  }
0x6c: {  	_ =	shalt  }
0x6d: {  	_ =	shalt  }
0x6e: {  	_ =	shalt  }
0x6f: {  	_ =	shalt  }
0x70: {  	_ =	shalt  }
0x71: {  	_ =	shalt  }
0x72: {  	_ =	shalt  }
0x73: {  	_ =	shalt  }
0x74: {  	_ =	shalt  }
0x75: {  	_ =	shalt  }
0x76: {  	_ =	shalt  }
0x77: {  	_ =	shalt  }
0x78: {  	_ =	shalt  }
0x79: {  	_ =	shalt  }
0x7a: {  	_ =	shalt  }
0x7b: {  	_ =	shalt  }
0x7c: {  	_ =	shalt  }
0x7d: {  	_ =	shalt  }
0x7e: {  	_ =	shalt  }
0x7f: {  	_ =	shalt  }
0x80: {  	_ =	shalt  }
0x81: {  	_ =	shalt  }
0x82: {  	_ =	shalt  }
0x83: {  	_ =	shalt  }
0x84: {  	_ =	shalt  }
0x85: {  	_ =	shalt  }
0x86: {  	_ =	shalt  }
0x87: {  	_ =	shalt  }
.Lfunc_end0:
.L_simem_size_0:
called_computation_lowered:
.L_overlay_start_0:
0x88: {  	s2 =	sld [smem:$0x3FD9]  }
0x89: {  	s3 =	sld [smem:$0x3FFE];
	_ =	sdelay $0x1  }
0x8a: {  	s1 =	srdreg.scid  }
0x8b: {  	s0 =	sand.u32 $0x1, s1  }
0x8c: {  	s14 =	sshll.u32 s0, $0xA;
	s2 =	sadd.s32 s3, s2  }
0x8d: {  	s2 =	sadd.s32 s2, s14  }
0x8e: {  	[smem:$0x3FC6] =	sst s2  }
0x8f: {  	_ = 	snop  }
0x90: {  	s2 =	sld [smem:$0x3FD0];
	_ =	sdelay $0x2  }
0x91: {  	s15 =	simm.s32 $0xA;
	s4 =	simm.s32 $0x10  }
0x92: {  	[smem:s4], [sflag:s15] =	dma.local [hbm:s2], $0x1  }
0x93: {  	_ =	swait.eq [sflag:s15], $0x1  }
0x94: {  	[sflag:s15] =	ssyncset.done $0x0  }
0x95: {  	s16 =	sld [smem:$0x10];
	[sflag:s15] =	ssyncadd.s32 $0xFFFFFFFF  }
0x96: {  	s17 =	sld [smem:$0x11];
	(tm) =	ssettm $0x1  }
0x97: {  	s18 =	sld [smem:$0x3FFB];
	_ =	sdelay $0x3  }
0x98: {  	_ =	strace s18  }
0x99: {  	s4 =	sld [smem:$0x3FFC];
	_ =	sdelay $0x3  }
0x9a: {  	_ =	strace s4  }
0x9b: {  	s4 =	sld [smem:$0x3FFD];
	_ =	sdelay $0x3  }
0x9c: {  	_ =	strace s4  }
0x9d: {  	_ =	strace $0x8FFFFFFF  }
0x9e: {  	s19 =	sld [smem:$0x3FDB];
	_ =	sdelay $0x1  }
0x9f: {  	s5 =	simm.s32 $_scs_section_size  }
0xa0: {  	s6 =	simm.s32 $_size__tile_overlayer_lowered;
	s7 =	simm.s32 $_tile_overlayer_lowered  }
0xa1: {  	s22 =	simm.s32 $0x1BFF;
	s21 =	sshll.u32 s7, $0x1;
	s4 =	sadd.s32 s5, s19  }
0xa2: {  	s8 =	simm.s32 $0x0;
	s20 =	sshll.u32 s6, $0x1;
	s6 =	sadd.s32 s21, s4  }
0xa3: {  	[timem:s8], [sflag:s22] =	dma.local [hbm:s6], s20  }
0xa4: {  	_ =	swait.ge [sflag:s22], s20  }
0xa5: {  	s5 =	ssub.s32 $0x0, s20;
	[sflag:s22] =	ssyncset.done $0x0  }
0xa6: {  	[sflag:s22] =	ssyncadd.s32 s5;
	_ =	sdelay $0x1  }
0xa7: {  	s23 =	simm.s32 $0x1B8B  }
0xa8: {  	_ =	swait.ge [sflag:s23], $0x1  }
0xa9: {  	[sflag:s23] =	ssyncset.done $0x0  }
0xaa: {  	s25 =	simm.s32 $0x1B8E;
	s24 =	sld [smem:$0x3FFE];
	[sflag:s23] =	ssyncadd.s32 $0xFFFFFFFF  }
0xab: {  	s26 =	simm.s32 $execute0_lowered;
	[smem:$0x3FD2] =	sst s25  }
0xac: {  	s6 =	sshll.u32 s26, $0x1;
	_ =	strace $0x80000046;
	[dreg:$0x1] =	wrdreg $0xFFFFFFFF  }
0xad: {  	s28 =	simm.s32 $_size_execute0_lowered;
	s4 =	sadd.s32 s4, s6;
	[dreg:$0x0] =	wrdreg $0x0  }
0xae: {  	s6 =	sshll.u32 s28, $0x1;
	[dreg:$0x2] =	wrdreg s4  }
0xaf: {  	[dreg:$0x3] =	wrdreg s6  }
0xb0: {  	[dreg:$0x4] =	wrdreg $0xC0  }
0xb1: {  	_ =	task [dreg:s8], $0x5FFFF  }
0xb2: {  	[dreg:$0x1] =	wrdreg $0xFFFFFFFF  }
0xb3: {  	[dreg:$0x0] =	wrdreg $0x60  }
0xb4: {  	[dreg:$0x2] =	wrdreg s24  }
0xb5: {  	[dreg:$0x3] =	wrdreg s16  }
0xb6: {  	[dreg:$0x4] =	wrdreg s17  }
0xb7: {  	[dreg:$0x5] =	wrdreg $0x9  }
0xb8: {  	_ =	task.clear_ibuf [dreg:s8], $0x6FFFF;
	_ =	strace $0x90000046  }
0xb9: {  	s29 =	simm.s32 $0x9;
	_ =	strace $0x80000048  }
0xba: {  	_ =	swait.ge [sflag:s29], $0x1  }
0xbb: {  	[sflag:s29] =	ssyncadd.s32 $0xFFFFFFFF  }
0xbc: {  	_ =	strace $0x90000048  }
0xbd: {  	_ =	sfence  }
0xbe: {  	s30 =	sld [smem:$0x0];
	_ =	sdelay $0x2  }
0xbf: {  	s31 =	sshll.u32 s1, $0xD;
	s1 =	sshrl.u32 s1, $0x2  }
0xc0: {  	s3 =	sand.u32 $0x4000, s31;
	s1 =	sadd.s32 s1, s30  }
0xc1: {  	s0 =	sor.u32 s3, s0;
	s1 =	sshll.u32 s1, $0x11  }
0xc2: {  	s0 =	sor.u32 s1, s0  }
0xc3: {  	s0 =	sadd.s32 $0x8F2B, s0  }
0xc4: {  	[sflag:s0] =	ssyncadd.remote.s32 $0x1  }
0xc5: {  	_ =	sfence.sel $0xFFFF  }
0xc6: {  	[dreg:$0x0] =	wrdreg $0xFFFFFFFF;
	(pc) =	sbr.abs _section_cstart, $3  }
0xc7: {  	[dreg:$0x1] =	wrdreg $0xFFFFFFFF  }
0xc8: {  	_ =	task.clear_ibuf [dreg:s8], $0x2FFFF;
	_ =	strace $0x9FFFFFFF  }
0xc9: {  	(tm) =	ssettm $0x7FFFFFFF  }
tec
execute0_lowered:
.L_overlay_start_1:
0x0: {  	(tag) =	ssettag $0x1  }
0x1: {  	s3 =	rddreg [dreg:$0x0]  }
0x2: {  	s4 =	rddreg [dreg:$0x1]  }
0x3: {  	s5 =	rddreg [dreg:$0x2];
	s2 =	srdreg.scid  }
0x4: {  	s0 =	rddreg [dreg:$0x3];
	s1 =	stileid.u32;
	s9 =	simm.s32 $0x1  }
0x5: {  	s10 =	simm.s32 $0x4000;
	s11 =	simm.s32 $0x4800;
	s12 =	simm.s32 $0x0  }
0x6: {  	s6 =	sand.u32 $0x1, s2;
	s2 =	simm.s32 $0x0;
	s7 =	sshll.u32 s1, $0xB  }
0x7: {  	s8 =	sshll.u32 s6, $0xA;
	[smem:$0x7FF] =	sst s2;
	s6 =	ssub.s32 $0x2, s6  }
0x8: {  	s7 =	sor.u32 s8, s7;
	_ =	strace $0x80000047;
	s31 =	sshrl.u32 s6, $0x1  }
0x9: {  	v0 =	vimm.s32 $0x0;
	v1 =	vimm.s32 $0x3;
	s8 =	simm.s32 $0x40000;
	s3 =	sadd.s32 s7, s3;
	s7 =	sshrl.u32 s7, $0x2  }
0xa: {  	v2 =	vimm.s32 $0x5;
	v3 =	vimm.s32 $0x7;
	v4 =	vimm.s32 $0x9;
	s6 =	ssub.s32 s6, s31;
	s3 =	sadd.s32 $0xC00, s3;
	s4 =	sadd.s32 s4, s7  }
0xb: {  	v5 =	vimm.s32 $0xB;
	v6 =	vimm.s32 $0xD;
	v7 =	vimm.s32 $0xF;
	s5 =	sadd.s32 s5, s7;
	s6 =	smax.u32 s6, $0x1;
	s7 =	simm.s32 $0x2000  }
.LBB2_1:
0xc: {  	[tilespmem:s2], [sflag:$0x1] =	stream.strided.gather [hbm4b:s3+s7], $0x4000, s8, s7, $0x38;
	[tilespmem:$0x5000] =	vst v63  }
0xd: {  	_ =	swait.ge [sflag:s9], $0x4000  }
0xe: {  	[sflag:s9] =	ssyncset.done $0x0  }
0xf: {  	s13 =	simm.s32 $0x0;
	s14 =	simm.s32 $0x0;
	[sflag:s9] =	ssyncadd.s32 $0xFFFFC000  }
.LBB2_2:
0x10: {  	s15 =	sshll.u32 s14, $0x8  }
0x11: {  	s17 =	sand.u32 $0x60, s13;
	s15 =	sand.u32 $0x3FFFFC00, s15  }
0x12: {  	s18 =	sor.u32 s17, s15  }
0x13: {  	v8 =	vld [tilespmem:s18+$0x0]  }
0x14: {  	v9 =	vld [tilespmem:s18+$0x80]  }
0x15: {  	v10 =	vld [tilespmem:s18+$0x100]  }
0x16: {  	v11 =	vld [tilespmem:s18+$0x180]  }
0x17: {  	v12 =	vld [tilespmem:s18+$0x200]  }
0x18: {  	v13 =	vld [tilespmem:s18+$0x280]  }
0x19: {  	s16 =	sadd.s32 $0x2000, s15;
	v14 =	vld [tilespmem:s18+$0x300]  }
0x1a: {  	s28 =	sadd.s32 $0x2280, s15;
	v15 =	vld [tilespmem:s18+$0x380];
	s19 =	sor.u32 s17, s16  }
0x1b: {  	s29 =	sadd.s32 $0x2300, s15;
	s24 =	sor.u32 s17, s28;
	v16 =	vld [tilespmem:s19+$0x0]  }
0x1c: {  	s18 =	sadd.s32 $0x2080, s15;
	s25 =	sor.u32 s17, s29;
	v21 =	vld [tilespmem:s24+$0x0]  }
0x1d: {  	s20 =	sor.u32 s17, s18;
	s19 =	sadd.s32 $0x2100, s15;
	v22 =	vld [tilespmem:s25+$0x0]  }
0x1e: {  	s24 =	sadd.s32 $0x2380, s15;
	v17 =	vld [tilespmem:s20+$0x0];
	s21 =	sor.u32 s17, s19  }
0x1f: {  	s20 =	sadd.s32 $0x2180, s15;
	s30 =	sor.u32 s17, s24;
	v18 =	vld [tilespmem:s21+$0x0]  }
0x20: {  	s22 =	sor.u32 s17, s20;
	s21 =	sadd.s32 $0x2200, s15;
	v23 =	vld [tilespmem:s30+$0x0]  }
0x21: {  	v19 =	vld [tilespmem:s22+$0x0];
	s23 =	sor.u32 s17, s21  }
0x22: {  	v20 =	vld [tilespmem:s23+$0x0];
	_ =	sdelay $0x2  }
0x23: {  	v24 =	vmax.f32 v8, v9;
	v25 =	vmax.f32 v10, v11;
	v26 =	vmax.f32 v12, v13  }
0x24: {  	v27 =	vmax.f32 v14, v15;
	v24 =	vmax.f32 v24, v25;
	v28 =	vmax.f32 v16, v17  }
0x25: {  	v31 =	vmax.f32 v22, v23;
	v29 =	vmax.f32 v18, v19;
	v30 =	vmax.f32 v20, v21  }
0x26: {  	v59 =	vmax.f32 v26, v27;
	v60 =	vmax.f32 v28, v29;
	v61 =	vmax.f32 v30, v31  }
0x27: {  	v24 =	vmax.f32 v24, v59;
	v62 =	vmax.f32 v60, v61  }
0x28: {  	v24 =	vmax.f32 v24, v62  }
0x29: {  	v8 =	vsub.f32 v8, v24  }
0x2a: {  	v9 =	vsub.f32 v9, v24  }
0x2b: {  	v10 =	vsub.f32 v10, v24;
	v8 =	vmul.f32 $1.442695020e+00, v8  }
0x2c: {  	v11 =	vsub.f32 v11, v24;
	v9 =	vmul.f32 $1.442695020e+00, v9  }
0x2d: {  	v63 =	vsub.f32 v12, v24;
	(erf) = vpow2.f32 v8;
	v8 =	vmul.f32 $1.442695020e+00, v10  }
0x2e: {  	v25 =	vsub.f32 v13, v24;
	v12 =	vmul.f32 $1.442695020e+00, v11;
	(erf) = vpow2.f32 v9  }
0x2f: {  	v26 =	vsub.f32 v14, v24;
	(erf) = vpow2.f32 v8;
	v8 =	vmul.f32 $1.442695020e+00, v63  }
0x30: {  	v28 =	vsub.f32 v15, v24;
	v27 =	vmul.f32 $1.442695020e+00, v25;
	(erf) = vpow2.f32 v12  }
0x31: {  	v29 =	vsub.f32 v16, v24;
	(erf) = vpow2.f32 v8;
	v8 =	vmul.f32 $1.442695020e+00, v26  }
0x32: {  	v31 =	vsub.f32 v17, v24;
	v30 =	vmul.f32 $1.442695020e+00, v28;
	(erf) = vpow2.f32 v27  }
0x33: {  	v32 =	vsub.f32 v18, v24;
	(erf) = vpow2.f32 v8;
	v8 =	vmul.f32 $1.442695020e+00, v29  }
0x34: {  	v34 =	vsub.f32 v19, v24;
	v33 =	vmul.f32 $1.442695020e+00, v31;
	(erf) = vpow2.f32 v30  }
0x35: {  	v35 =	vsub.f32 v20, v24;
	(erf) = vpow2.f32 v8;
	v8 =	vmul.f32 $1.442695020e+00, v32  }
0x36: {  	v37 =	vsub.f32 v21, v24;
	v36 =	vmul.f32 $1.442695020e+00, v34;
	v12 =	vpop (erf);
	(erf) = vpow2.f32 v33  }
0x37: {  	v39 =	vsub.f32 v22, v24;
	v38 =	vpop (erf);
	(erf) = vpow2.f32 v8;
	v8 =	vmul.f32 $1.442695020e+00, v35  }
0x38: {  	v41 =	vmul.f32 $1.442695020e+00, v37;
	v40 =	vpop (erf);
	(erf) = vpow2.f32 v36  }
0x39: {  	v42 =	vsub.f32 v23, v24;
	v43 =	vpop (erf);
	(erf) = vpow2.f32 v8;
	v8 =	vmul.f32 $1.442695020e+00, v39;
	_ =	sdelay $0x1  }
0x3a: {  	v45 =	vmul.f32 $1.442695020e+00, v42;
	v44 =	vpop (erf);
	(erf) = vpow2.f32 v41  }
0x3b: {  	v46 =	vpop (erf);
	(erf) = vpow2.f32 v8  }
0x3c: {  	v8 =	vpop (erf);
	(erf) = vpow2.f32 v45  }
0x3d: {  	v47 =	vpop (erf)  }
0x3e: {  	v48 =	vpop (erf)  }
0x3f: {  	v49 =	vpop (erf)  }
0x40: {  	v50 =	vpop (erf)  }
0x41: {  	v51 =	vpop (erf)  }
0x42: {  	v52 =	vpop (erf)  }
0x43: {  	v54 =	vadd.f32 v38, v12;
	v55 =	vadd.f32 v43, v40;
	v53 =	vpop (erf)  }
0x44: {  	v57 =	vadd.f32 v46, v44;
	v58 =	vadd.f32 v47, v8;
	v56 =	vpop (erf)  }
0x45: {  	v60 =	vadd.f32 v49, v48;
	v61 =	vadd.f32 v51, v50;
	v59 =	vpop (erf)  }
0x46: {  	v62 =	vadd.f32 v53, v52;
	v63 =	vadd.f32 v59, v56  }
0x47: {  	v22 =	vadd.f32 v55, v54;
	v32 =	vadd.f32 v58, v57  }
0x48: {  	v33 =	vadd.f32 v61, v60;
	v34 =	vadd.f32 v63, v62;
	_ =	sdelay $0x1  }
0x49: {  	v22 =	vadd.f32 v32, v22;
	v35 =	vadd.f32 v34, v33;
	_ =	sdelay $0x1  }
0x4a: {  	v22 =	vadd.f32 v35, v22;
	_ =	sdelay $0x1  }
0x4b: {  	(erf) = vrcp.f32 v22;
	_ =	sdelay $0x8  }
0x4c: {  	v22 =	vpop (erf)  }
0x4d: {  	v12 =	vmul.f32 v22, v12;
	v13 =	vmul.f32 v22, v38  }
0x4e: {  	v14 =	vmul.f32 v22, v40;
	v15 =	vmul.f32 v22, v43  }
0x4f: {  	v10 =	vmul.f32 v22, v44;
	v11 =	vmul.f32 v22, v46  }
0x50: {  	v8 =	vmul.f32 v22, v8;
	v9 =	vmul.f32 v22, v47  }
0x51: {  	v16 =	vmul.f32 v22, v48;
	v17 =	vmul.f32 v22, v49  }
0x52: {  	v18 =	vmul.f32 v22, v50;
	v19 =	vmul.f32 v22, v51  }
0x53: {  	v20 =	vmul.f32 v22, v52;
	v21 =	vmul.f32 v22, v53  }
0x54: {  	v36 =	vmul.f32 v22, v56;
	v22 =	vmul.f32 v22, v59;
	v37 =	vmax.f32 v12, v13  }
0x55: {  	v38 =	vmax.f32 v14, v15;
	v39 =	vmax.f32 v10, v11;
	v40 =	vmax.f32 v8, v9  }
0x56: {  	v42 =	vmax.f32 v16, v17;
	v43 =	vmax.f32 v18, v19;
	v44 =	vmax.f32 v20, v21  }
0x57: {  	v45 =	vmax.f32 v36, v22;
	v24 =	vmax.f32 v37, v38;
	v41 =	vmax.f32 v39, v40  }
0x58: {  	v26 =	vmax.f32 v42, v43;
	v46 =	vmax.f32 v44, v45;
	vm0 =	vge.f32 v24, v41  }
0x59: {  	vm1 =	vge.f32 v26, v46;
	vm0 =	vmneg vm0  }
0x5a: {  	v29 =	vsel vm1, v26, v46;
	v47 =	vsel vm0, v41, v24  }
0x5b: {  	v49 =	vsel vm1, $0x2, v1;
	v48 =	vsel vm0, $0x1, v0;
	vm2 =	vge.f32 v47, v29  }
0x5c: {  	v28 =	vsel vm2, v48, v49;
	vm0 =	vmand vm0, vm2  }
0x5d: {  	vm4 =	vmneg vm2;
	vm3 =	veq.s32 v28, $0x0;
	v25 =	vsel vm0, $0xFF800000, v41  }
0x5e: {  	vm1 =	vmand vm4, vm1;
	vm14 =	veq.s32 v28, $0x3;
	v24 =	vsel vm3, $0xFF800000, v24  }
0x5f: {  	v26 =	vsel vm1, $0xFF800000, v26;
	v27 =	vsel vm14, $0xFF800000, v46;
	vm15 =	vge.f32 v24, v25  }
0x60: {  	vm5 =	vge.f32 v26, v27;
	vm4 =	vmneg vm15  }
0x61: {  	v50 =	vsel vm5, v26, v27;
	v24 =	vsel vm4, v25, v24  }
0x62: {  	v52 =	vsel vm5, $0x2, v1;
	v51 =	vsel vm4, $0x1, v0;
	vm6 =	vge.f32 v24, v50  }
0x63: {  	v24 =	vsel vm6, v51, v52  }
0x64: {  	vm8 =	vmneg vm6;
	vm4 =	vmand vm4, vm6;
	vm7 =	veq.s32 v24, $0x0  }
0x65: {  	vm0 =	vmor vm0, vm4;
	vm8 =	vmand vm8, vm5;
	vm10 =	veq.s32 v24, $0x3  }
0x66: {  	vm3 =	vmor vm3, vm7;
	v10 =	vnsel vm0, $0xFF800000, v10;
	v11 =	vnsel vm0, $0xFF800000, v11  }
0x67: {  	v8 =	vnsel vm0, $0xFF800000, v8;
	v9 =	vnsel vm0, $0xFF800000, v9;
	vm9 =	vmor vm1, vm8  }
0x68: {  	vm11 =	vmor vm14, vm10;
	v12 =	vnsel vm3, $0xFF800000, v12;
	v13 =	vnsel vm3, $0xFF800000, v13  }
0x69: {  	v14 =	vnsel vm3, $0xFF800000, v14;
	v15 =	vnsel vm3, $0xFF800000, v15;
	v16 =	vnsel vm9, $0xFF800000, v16  }
0x6a: {  	v17 =	vnsel vm9, $0xFF800000, v17;
	v18 =	vnsel vm9, $0xFF800000, v18;
	v19 =	vnsel vm9, $0xFF800000, v19  }
0x6b: {  	v20 =	vnsel vm11, $0xFF800000, v20;
	v21 =	vnsel vm11, $0xFF800000, v21;
	v23 =	vnsel vm11, $0xFF800000, v36  }
0x6c: {  	v22 =	vnsel vm11, $0xFF800000, v22;
	vm15 =	vge.f32 v10, v11;
	vm4 =	vge.f32 v8, v9  }
0x6d: {  	vm12 =	vge.f32 v12, v13;
	vm14 =	vge.f32 v14, v15;
	v57 =	vsel vm15, v10, v11  }
0x6e: {  	v58 =	vsel vm15, $0x4, v2;
	v59 =	vsel vm4, v8, v9;
	v60 =	vsel vm4, $0x6, v3  }
0x6f: {  	vm5 =	vge.f32 v16, v17;
	vm6 =	vge.f32 v18, v19;
	vm7 =	vge.f32 v20, v21  }
0x70: {  	vm8 =	vge.f32 v23, v22;
	vm13 =	vmneg vm12;
	v55 =	vsel vm14, v14, v15  }
0x71: {  	v56 =	vsel vm14, $0x2, v1;
	v32 =	vsel vm5, v16, v17;
	v33 =	vsel vm5, $0x8, v4  }
0x72: {  	v34 =	vsel vm6, v18, v19;
	v35 =	vsel vm6, $0xA, v5;
	v36 =	vsel vm7, v20, v21  }
0x73: {  	v37 =	vsel vm7, $0xC, v6;
	v38 =	vsel vm8, v23, v22;
	v39 =	vsel vm8, $0xE, v7  }
0x74: {  	vm10 =	vge.f32 v57, v59;
	v53 =	vsel vm13, v13, v12;
	v54 =	vsel vm13, $0x1, v0  }
0x75: {  	v61 =	vsel vm10, v57, v59;
	vm11 =	vge.f32 v32, v34;
	vm12 =	vge.f32 v36, v38  }
0x76: {  	v62 =	vsel vm10, v58, v60;
	vm9 =	vge.f32 v53, v55;
	v63 =	vsel vm11, v32, v34  }
0x77: {  	v34 =	vsel vm12, v36, v38;
	v35 =	vsel vm11, v33, v35;
	v24 =	vsel vm9, v53, v55  }
0x78: {  	v36 =	vsel vm12, v37, v39;
	vm14 =	vge.f32 v63, v34;
	vm13 =	vge.f32 v24, v61  }
0x79: {  	v25 =	vsel vm9, v54, v56;
	v37 =	vsel vm14, v63, v34;
	v24 =	vsel vm13, v24, v61  }
0x7a: {  	v38 =	vsel vm14, v35, v36;
	v25 =	vsel vm13, v25, v62;
	vm15 =	vge.f32 v24, v37  }
0x7b: {  	v25 =	vsel vm15, v25, v38  }
0x7c: {  	v24 =	vsel vm15, v24, v37;
	vm4 =	veq.s32 v25, $0x0;
	vm5 =	veq.s32 v25, $0x1  }
0x7d: {  	vm6 =	veq.s32 v25, $0x2;
	vm7 =	veq.s32 v25, $0x3;
	vm8 =	veq.s32 v25, $0x4  }
0x7e: {  	vm9 =	veq.s32 v25, $0x5;
	vm10 =	veq.s32 v25, $0x6;
	vm11 =	veq.s32 v25, $0x7  }
0x7f: {  	vm12 =	veq.s32 v25, $0x8;
	vm13 =	veq.s32 v25, $0x9;
	vm14 =	veq.s32 v25, $0xA  }
0x80: {  	vm15 =	veq.s32 v25, $0xB;
	v12 =	vsel vm4, $0xFF800000, v12;
	v13 =	vsel vm5, $0xFF800000, v13  }
0x81: {  	v14 =	vsel vm6, $0xFF800000, v14;
	v15 =	vsel vm7, $0xFF800000, v15;
	v10 =	vsel vm8, $0xFF800000, v10  }
0x82: {  	v11 =	vsel vm9, $0xFF800000, v11;
	v8 =	vsel vm10, $0xFF800000, v8;
	v9 =	vsel vm11, $0xFF800000, v9  }
0x83: {  	v16 =	vsel vm12, $0xFF800000, v16;
	v17 =	vsel vm13, $0xFF800000, v17;
	v18 =	vsel vm14, $0xFF800000, v18  }
0x84: {  	vm4 =	veq.s32 v25, $0xC;
	v19 =	vsel vm15, $0xFF800000, v19;
	vm5 =	veq.s32 v25, $0xD  }
0x85: {  	vm6 =	veq.s32 v25, $0xE;
	vm8 =	veq.s32 v25, $0xF;
	v20 =	vsel vm4, $0xFF800000, v20  }
0x86: {  	v21 =	vsel vm5, $0xFF800000, v21;
	vm7 =	vge.f32 v12, v13;
	v23 =	vsel vm6, $0xFF800000, v23  }
0x87: {  	v22 =	vsel vm8, $0xFF800000, v22;
	vm9 =	vge.f32 v14, v15;
	vm10 =	vge.f32 v10, v11  }
0x88: {  	vm11 =	vge.f32 v8, v9;
	vm12 =	vge.f32 v16, v17;
	vm13 =	vge.f32 v18, v19  }
0x89: {  	vm1 =	vmneg vm7;
	v14 =	vsel vm9, v14, v15;
	v40 =	vsel vm9, $0x2, v1  }
0x8a: {  	v10 =	vsel vm10, v10, v11;
	v41 =	vsel vm10, $0x4, v2;
	v8 =	vsel vm11, v8, v9  }
0x8b: {  	v42 =	vsel vm11, $0x6, v3;
	v16 =	vsel vm12, v16, v17;
	v43 =	vsel vm12, $0x8, v4  }
0x8c: {  	v18 =	vsel vm13, v18, v19;
	v44 =	vsel vm13, $0xA, v5;
	vm14 =	vge.f32 v20, v21  }
0x8d: {  	vm15 =	vge.f32 v23, v22;
	v12 =	vsel vm1, v13, v12;
	v39 =	vsel vm1, $0x1, v0  }
0x8e: {  	v20 =	vsel vm14, v20, v21;
	v45 =	vsel vm15, v23, v22;
	vm10 =	vge.f32 v10, v8  }
0x8f: {  	vm11 =	vge.f32 v16, v18;
	v48 =	vsel vm14, $0xC, v6;
	v49 =	vsel vm15, $0xE, v7  }
0x90: {  	vm9 =	vge.f32 v12, v14;
	vm12 =	vge.f32 v20, v45;
	v8 =	vsel vm10, v10, v8  }
0x91: {  	s31 =	sshll.u32 s14, $0x6;
	v46 =	vsel vm11, v16, v18;
	v12 =	vsel vm9, v12, v14;
	v47 =	vsel vm12, v20, v45  }
0x92: {  	s25 =	sand.u32 $0xFFFFFF00, s31;
	v9 =	vsel vm10, v41, v42;
	vm13 =	vge.f32 v12, v8;
	vm14 =	vge.f32 v46, v47  }
0x93: {  	s26 =	sor.u32 s17, s25;
	v51 =	vsel vm11, v43, v44;
	v8 =	vsel vm13, v12, v8;
	v10 =	vsel vm14, v46, v47  }
0x94: {  	[tilespmem:s26+$0x4000] =	vst v24;
	v50 =	vsel vm9, v39, v40;
	v52 =	vsel vm12, v48, v49;
	vm15 =	vge.f32 v8, v10  }
0x95: {  	[tilespmem:s26+$0x4800] =	vst v25;
	v9 =	vsel vm13, v50, v9;
	v53 =	vsel vm14, v51, v52;
	v8 =	vsel vm15, v8, v10  }
0x96: {  	s17 =	sor.u32 $0x10, s17;
	[tilespmem:s26+$0x4080] =	vst v8;
	v8 =	vsel vm15, v9, v53  }
0x97: {  	s15 =	sor.u32 s17, s15;
	[tilespmem:s26+$0x4880] =	vst v8  }
0x98: {  	v8 =	vld [tilespmem:s15+$0x0]  }
0x99: {  	v54 =	vld [tilespmem:s15+$0x80]  }
0x9a: {  	v55 =	vld [tilespmem:s15+$0x100]  }
0x9b: {  	v56 =	vld [tilespmem:s15+$0x180]  }
0x9c: {  	v57 =	vld [tilespmem:s15+$0x200]  }
0x9d: {  	v58 =	vld [tilespmem:s15+$0x280]  }
0x9e: {  	v59 =	vld [tilespmem:s15+$0x300]  }
0x9f: {  	s16 =	sor.u32 s17, s16;
	v60 =	vld [tilespmem:s15+$0x380]  }
0xa0: {  	s18 =	sor.u32 s17, s18;
	v61 =	vld [tilespmem:s16+$0x0]  }
0xa1: {  	s19 =	sor.u32 s17, s19;
	v62 =	vld [tilespmem:s18+$0x0]  }
0xa2: {  	s20 =	sor.u32 s17, s20;
	v63 =	vld [tilespmem:s19+$0x0]  }
0xa3: {  	s26 =	sor.u32 s17, s21;
	v33 =	vld [tilespmem:s20+$0x0]  }
0xa4: {  	s28 =	sor.u32 s17, s28;
	v34 =	vld [tilespmem:s26+$0x0]  }
0xa5: {  	s29 =	sor.u32 s17, s29;
	v35 =	vld [tilespmem:s28+$0x0]  }
0xa6: {  	s30 =	sor.u32 s17, s24;
	v36 =	vld [tilespmem:s29+$0x0]  }
0xa7: {  	v37 =	vld [tilespmem:s30+$0x0];
	_ =	sdelay $0x2  }
0xa8: {  	v38 =	vmax.f32 v8, v54;
	v39 =	vmax.f32 v55, v56;
	v40 =	vmax.f32 v57, v58  }
0xa9: {  	v41 =	vmax.f32 v59, v60;
	v42 =	vmax.f32 v61, v62;
	v43 =	vmax.f32 v63, v33  }
0xaa: {  	v44 =	vmax.f32 v34, v35;
	v45 =	vmax.f32 v36, v37;
	v24 =	vmax.f32 v38, v39  }
0xab: {  	v46 =	vmax.f32 v40, v41;
	v47 =	vmax.f32 v42, v43;
	v48 =	vmax.f32 v44, v45  }
0xac: {  	v24 =	vmax.f32 v24, v46;
	v49 =	vmax.f32 v47, v48  }
0xad: {  	v24 =	vmax.f32 v24, v49  }
0xae: {  	v8 =	vsub.f32 v8, v24  }
0xaf: {  	v9 =	vsub.f32 v54, v24  }
0xb0: {  	v10 =	vsub.f32 v55, v24;
	v8 =	vmul.f32 $1.442695020e+00, v8  }
0xb1: {  	v11 =	vsub.f32 v56, v24;
	v9 =	vmul.f32 $1.442695020e+00, v9  }
0xb2: {  	v50 =	vsub.f32 v57, v24;
	(erf) = vpow2.f32 v8;
	v8 =	vmul.f32 $1.442695020e+00, v10  }
0xb3: {  	v52 =	vsub.f32 v58, v24;
	v51 =	vmul.f32 $1.442695020e+00, v11;
	(erf) = vpow2.f32 v9  }
0xb4: {  	v53 =	vsub.f32 v59, v24;
	(erf) = vpow2.f32 v8;
	v8 =	vmul.f32 $1.442695020e+00, v50  }
0xb5: {  	v55 =	vsub.f32 v60, v24;
	v54 =	vmul.f32 $1.442695020e+00, v52;
	(erf) = vpow2.f32 v51  }
0xb6: {  	v56 =	vsub.f32 v61, v24;
	(erf) = vpow2.f32 v8;
	v8 =	vmul.f32 $1.442695020e+00, v53  }
0xb7: {  	v58 =	vsub.f32 v62, v24;
	v57 =	vmul.f32 $1.442695020e+00, v55;
	(erf) = vpow2.f32 v54  }
0xb8: {  	v59 =	vsub.f32 v63, v24;
	(erf) = vpow2.f32 v8;
	v8 =	vmul.f32 $1.442695020e+00, v56  }
0xb9: {  	v61 =	vsub.f32 v33, v24;
	v60 =	vmul.f32 $1.442695020e+00, v58;
	(erf) = vpow2.f32 v57  }
0xba: {  	v62 =	vsub.f32 v34, v24;
	(erf) = vpow2.f32 v8;
	v8 =	vmul.f32 $1.442695020e+00, v59  }
0xbb: {  	v32 =	vsub.f32 v35, v24;
	v31 =	vmul.f32 $1.442695020e+00, v61;
	v63 =	vpop (erf);
	(erf) = vpow2.f32 v60  }
0xbc: {  	v34 =	vsub.f32 v36, v24;
	v33 =	vpop (erf);
	(erf) = vpow2.f32 v8;
	v8 =	vmul.f32 $1.442695020e+00, v62  }
0xbd: {  	v36 =	vmul.f32 $1.442695020e+00, v32;
	v35 =	vpop (erf);
	(erf) = vpow2.f32 v31  }
0xbe: {  	v37 =	vsub.f32 v37, v24;
	v38 =	vpop (erf);
	(erf) = vpow2.f32 v8;
	v8 =	vmul.f32 $1.442695020e+00, v34;
	_ =	sdelay $0x1  }
0xbf: {  	v40 =	vmul.f32 $1.442695020e+00, v37;
	v39 =	vpop (erf);
	(erf) = vpow2.f32 v36  }
0xc0: {  	v41 =	vpop (erf);
	(erf) = vpow2.f32 v8  }
0xc1: {  	v8 =	vpop (erf);
	(erf) = vpow2.f32 v40  }
0xc2: {  	v42 =	vpop (erf)  }
0xc3: {  	v43 =	vpop (erf)  }
0xc4: {  	v44 =	vpop (erf)  }
0xc5: {  	v45 =	vpop (erf)  }
0xc6: {  	v46 =	vpop (erf)  }
0xc7: {  	v47 =	vpop (erf)  }
0xc8: {  	v49 =	vadd.f32 v33, v63;
	v50 =	vadd.f32 v38, v35;
	v48 =	vpop (erf)  }
0xc9: {  	v52 =	vadd.f32 v41, v39;
	v53 =	vadd.f32 v42, v8;
	v51 =	vpop (erf)  }
0xca: {  	v55 =	vadd.f32 v44, v43;
	v56 =	vadd.f32 v46, v45;
	v54 =	vpop (erf)  }
0xcb: {  	v57 =	vadd.f32 v48, v47;
	v58 =	vadd.f32 v54, v51  }
0xcc: {  	v22 =	vadd.f32 v50, v49;
	v59 =	vadd.f32 v53, v52  }
0xcd: {  	v60 =	vadd.f32 v56, v55;
	v61 =	vadd.f32 v58, v57;
	_ =	sdelay $0x1  }
0xce: {  	v22 =	vadd.f32 v59, v22;
	v62 =	vadd.f32 v61, v60;
	_ =	sdelay $0x1  }
0xcf: {  	v22 =	vadd.f32 v62, v22;
	_ =	sdelay $0x1  }
0xd0: {  	(erf) = vrcp.f32 v22;
	_ =	sdelay $0x8  }
0xd1: {  	v22 =	vpop (erf)  }
0xd2: {  	v12 =	vmul.f32 v22, v63;
	v13 =	vmul.f32 v22, v33  }
0xd3: {  	v14 =	vmul.f32 v22, v35;
	v15 =	vmul.f32 v22, v38  }
0xd4: {  	v10 =	vmul.f32 v22, v39;
	v11 =	vmul.f32 v22, v41  }
0xd5: {  	v8 =	vmul.f32 v22, v8;
	v9 =	vmul.f32 v22, v42  }
0xd6: {  	v16 =	vmul.f32 v22, v43;
	v17 =	vmul.f32 v22, v44  }
0xd7: {  	v18 =	vmul.f32 v22, v45;
	v19 =	vmul.f32 v22, v46  }
0xd8: {  	v20 =	vmul.f32 v22, v47;
	v21 =	vmul.f32 v22, v48  }
0xd9: {  	v63 =	vmul.f32 v22, v51;
	v22 =	vmul.f32 v22, v54;
	v32 =	vmax.f32 v12, v13  }
0xda: {  	v33 =	vmax.f32 v14, v15;
	v34 =	vmax.f32 v10, v11;
	v35 =	vmax.f32 v8, v9  }
0xdb: {  	v37 =	vmax.f32 v16, v17;
	v38 =	vmax.f32 v18, v19;
	v39 =	vmax.f32 v20, v21  }
0xdc: {  	v40 =	vmax.f32 v63, v22;
	v24 =	vmax.f32 v32, v33;
	v36 =	vmax.f32 v34, v35  }
0xdd: {  	v26 =	vmax.f32 v37, v38;
	v41 =	vmax.f32 v39, v40;
	vm7 =	vge.f32 v24, v36  }
0xde: {  	vm8 =	vge.f32 v26, v41;
	vm0 =	vmneg vm7  }
0xdf: {  	v29 =	vsel vm8, v26, v41;
	v42 =	vsel vm0, v36, v24  }
0xe0: {  	v44 =	vsel vm8, $0x2, v1;
	v43 =	vsel vm0, $0x1, v0;
	vm9 =	vge.f32 v42, v29  }
0xe1: {  	v28 =	vsel vm9, v43, v44;
	vm0 =	vmand vm0, vm9  }
0xe2: {  	vm10 =	vmneg vm9;
	vm3 =	veq.s32 v28, $0x0;
	v25 =	vsel vm0, $0xFF800000, v36  }
0xe3: {  	vm1 =	vmand vm10, vm8;
	vm2 =	veq.s32 v28, $0x3;
	v24 =	vsel vm3, $0xFF800000, v24  }
0xe4: {  	v26 =	vsel vm1, $0xFF800000, v26;
	v27 =	vsel vm2, $0xFF800000, v41;
	vm11 =	vge.f32 v24, v25  }
0xe5: {  	vm12 =	vge.f32 v26, v27;
	vm4 =	vmneg vm11  }
0xe6: {  	v45 =	vsel vm12, v26, v27;
	v24 =	vsel vm4, v25, v24  }
0xe7: {  	v47 =	vsel vm12, $0x2, v1;
	v46 =	vsel vm4, $0x1, v0;
	vm13 =	vge.f32 v24, v45  }
0xe8: {  	v24 =	vsel vm13, v46, v47  }
0xe9: {  	vm15 =	vmneg vm13;
	vm4 =	vmand vm4, vm13;
	vm14 =	veq.s32 v24, $0x0  }
0xea: {  	vm0 =	vmor vm0, vm4;
	vm8 =	vmand vm15, vm12;
	vm10 =	veq.s32 v24, $0x3  }
0xeb: {  	vm3 =	vmor vm3, vm14;
	v10 =	vnsel vm0, $0xFF800000, v10;
	v11 =	vnsel vm0, $0xFF800000, v11  }
0xec: {  	v8 =	vnsel vm0, $0xFF800000, v8;
	v9 =	vnsel vm0, $0xFF800000, v9;
	vm9 =	vmor vm1, vm8  }
0xed: {  	vm11 =	vmor vm2, vm10;
	v12 =	vnsel vm3, $0xFF800000, v12;
	v13 =	vnsel vm3, $0xFF800000, v13  }
0xee: {  	v14 =	vnsel vm3, $0xFF800000, v14;
	v15 =	vnsel vm3, $0xFF800000, v15;
	v16 =	vnsel vm9, $0xFF800000, v16  }
0xef: {  	v17 =	vnsel vm9, $0xFF800000, v17;
	v18 =	vnsel vm9, $0xFF800000, v18;
	v19 =	vnsel vm9, $0xFF800000, v19  }
0xf0: {  	v20 =	vnsel vm11, $0xFF800000, v20;
	v21 =	vnsel vm11, $0xFF800000, v21;
	v23 =	vnsel vm11, $0xFF800000, v63  }
0xf1: {  	v22 =	vnsel vm11, $0xFF800000, v22;
	vm15 =	vge.f32 v10, v11;
	vm4 =	vge.f32 v8, v9  }
0xf2: {  	vm12 =	vge.f32 v12, v13;
	vm14 =	vge.f32 v14, v15;
	v52 =	vsel vm15, v10, v11  }
0xf3: {  	v53 =	vsel vm15, $0x4, v2;
	v54 =	vsel vm4, v8, v9;
	v55 =	vsel vm4, $0x6, v3  }
0xf4: {  	vm5 =	vge.f32 v16, v17;
	vm6 =	vge.f32 v18, v19;
	vm7 =	vge.f32 v20, v21  }
0xf5: {  	vm8 =	vge.f32 v23, v22;
	vm13 =	vmneg vm12;
	v50 =	vsel vm14, v14, v15  }
0xf6: {  	v51 =	vsel vm14, $0x2, v1;
	v56 =	vsel vm5, v16, v17;
	v57 =	vsel vm5, $0x8, v4  }
0xf7: {  	v58 =	vsel vm6, v18, v19;
	v59 =	vsel vm6, $0xA, v5;
	v60 =	vsel vm7, v20, v21  }
0xf8: {  	v61 =	vsel vm7, $0xC, v6;
	v62 =	vsel vm8, v23, v22;
	v63 =	vsel vm8, $0xE, v7  }
0xf9: {  	vm10 =	vge.f32 v52, v54;
	v48 =	vsel vm13, v13, v12;
	v49 =	vsel vm13, $0x1, v0  }
0xfa: {  	v41 =	vsel vm10, v52, v54;
	vm11 =	vge.f32 v56, v58;
	vm12 =	vge.f32 v60, v62  }
0xfb: {  	v42 =	vsel vm10, v53, v55;
	vm9 =	vge.f32 v48, v50;
	v43 =	vsel vm11, v56, v58  }
0xfc: {  	v44 =	vsel vm12, v60, v62;
	v45 =	vsel vm11, v57, v59;
	v24 =	vsel vm9, v48, v50  }
0xfd: {  	v46 =	vsel vm12, v61, v63;
	vm14 =	vge.f32 v43, v44;
	vm13 =	vge.f32 v24, v41  }
0xfe: {  	v25 =	vsel vm9, v49, v51;
	v47 =	vsel vm14, v43, v44;
	v24 =	vsel vm13, v24, v41  }
0xff: {  	v48 =	vsel vm14, v45, v46;
	v25 =	vsel vm13, v25, v42;
	vm15 =	vge.f32 v24, v47  }
0x100: {  	v25 =	vsel vm15, v25, v48  }
0x101: {  	v24 =	vsel vm15, v24, v47;
	vm4 =	veq.s32 v25, $0x0;
	vm5 =	veq.s32 v25, $0x1  }
0x102: {  	vm6 =	veq.s32 v25, $0x2;
	vm7 =	veq.s32 v25, $0x3;
	vm8 =	veq.s32 v25, $0x4  }
0x103: {  	vm9 =	veq.s32 v25, $0x5;
	vm10 =	veq.s32 v25, $0x6;
	vm11 =	veq.s32 v25, $0x7  }
0x104: {  	vm12 =	veq.s32 v25, $0x8;
	vm13 =	veq.s32 v25, $0x9;
	vm14 =	veq.s32 v25, $0xA  }
0x105: {  	vm15 =	veq.s32 v25, $0xB;
	v12 =	vsel vm4, $0xFF800000, v12;
	v13 =	vsel vm5, $0xFF800000, v13  }
0x106: {  	v14 =	vsel vm6, $0xFF800000, v14;
	v15 =	vsel vm7, $0xFF800000, v15;
	v10 =	vsel vm8, $0xFF800000, v10  }
0x107: {  	v11 =	vsel vm9, $0xFF800000, v11;
	v8 =	vsel vm10, $0xFF800000, v8;
	v9 =	vsel vm11, $0xFF800000, v9  }
0x108: {  	v16 =	vsel vm12, $0xFF800000, v16;
	v17 =	vsel vm13, $0xFF800000, v17;
	v18 =	vsel vm14, $0xFF800000, v18  }
0x109: {  	vm4 =	veq.s32 v25, $0xC;
	v19 =	vsel vm15, $0xFF800000, v19;
	vm5 =	veq.s32 v25, $0xD  }
0x10a: {  	vm6 =	veq.s32 v25, $0xE;
	vm8 =	veq.s32 v25, $0xF;
	v20 =	vsel vm4, $0xFF800000, v20  }
0x10b: {  	v21 =	vsel vm5, $0xFF800000, v21;
	vm7 =	vge.f32 v12, v13;
	v23 =	vsel vm6, $0xFF800000, v23  }
0x10c: {  	v22 =	vsel vm8, $0xFF800000, v22;
	vm9 =	vge.f32 v14, v15;
	vm10 =	vge.f32 v10, v11  }
0x10d: {  	vm11 =	vge.f32 v8, v9;
	vm12 =	vge.f32 v16, v17;
	vm13 =	vge.f32 v18, v19  }
0x10e: {  	vm1 =	vmneg vm7;
	v14 =	vsel vm9, v14, v15;
	v50 =	vsel vm9, $0x2, v1  }
0x10f: {  	v10 =	vsel vm10, v10, v11;
	v51 =	vsel vm10, $0x4, v2;
	v8 =	vsel vm11, v8, v9  }
0x110: {  	v52 =	vsel vm11, $0x6, v3;
	v16 =	vsel vm12, v16, v17;
	v53 =	vsel vm12, $0x8, v4  }
0x111: {  	v18 =	vsel vm13, v18, v19;
	v54 =	vsel vm13, $0xA, v5;
	vm14 =	vge.f32 v20, v21  }
0x112: {  	vm15 =	vge.f32 v23, v22;
	v12 =	vsel vm1, v13, v12;
	v49 =	vsel vm1, $0x1, v0  }
0x113: {  	v20 =	vsel vm14, v20, v21;
	v55 =	vsel vm15, v23, v22;
	vm10 =	vge.f32 v10, v8  }
0x114: {  	vm11 =	vge.f32 v16, v18;
	v58 =	vsel vm14, $0xC, v6;
	v59 =	vsel vm15, $0xE, v7  }
0x115: {  	vm9 =	vge.f32 v12, v14;
	vm12 =	vge.f32 v20, v55;
	v8 =	vsel vm10, v10, v8  }
0x116: {  	v56 =	vsel vm11, v16, v18;
	v12 =	vsel vm9, v12, v14;
	v57 =	vsel vm12, v20, v55  }
0x117: {  	p0 =	sne.s32 s14, $0x1F;
	v9 =	vsel vm10, v51, v52;
	vm13 =	vge.f32 v12, v8;
	vm14 =	vge.f32 v56, v57  }
.Ltmp0:
0x118: {  	s31 =	sor.u32 s25, s17;
	v61 =	vsel vm11, v53, v54;
	v8 =	vsel vm13, v12, v8;
	v10 =	vsel vm14, v56, v57;
	(pc) =	sbr.rel @p0 .LBB2_2-.Ltmp0, $4  }
0x119: {  	[tilespmem:s31+$0x4000] =	vst v24;
	v60 =	vsel vm9, v49, v50;
	v62 =	vsel vm12, v58, v59;
	vm15 =	vge.f32 v8, v10  }
0x11a: {  	[tilespmem:s31+$0x4800] =	vst v25;
	v9 =	vsel vm13, v60, v9;
	v63 =	vsel vm14, v61, v62;
	v8 =	vsel vm15, v8, v10  }
0x11b: {  	[tilespmem:s31+$0x4080] =	vst v8;
	v8 =	vsel vm15, v9, v63  }
0x11c: {  	s13 =	sadd.s32 $0x20, s13;
	s14 =	sadd.s32 $0x1, s14;
	[tilespmem:s31+$0x4880] =	vst v8  }
0x11d: {  	[hbm4b:s4+s2] =	stream.linear.scatter [tilespmem:s10], [sflag:$0x1], $0x800, $0x38;
	[tilespmem:$0x5000] =	vst v63  }
0x11e: {  	s12 =	sadd.s32 $0x1, s12;
	_ =	swait.ge [sflag:s9], $0x800  }
0x11f: {  	p0 =	sne.s32 s12, s6;
	[sflag:s9] =	ssyncset.done $0x0  }
.Ltmp1:
0x120: {  	[sflag:s9] =	ssyncadd.s32 $0xFFFFF800;
	(pc) =	sbr.rel @p0 .LBB2_1-.Ltmp1, $4  }
0x121: {  	[hbm4b:s5+s2] =	stream.linear.scatter [tilespmem:s11], [sflag:$0x1], $0x800, $0x38;
	[tilespmem:$0x5000] =	vst v63  }
0x122: {  	_ =	swait.ge [sflag:s9], $0x800  }
0x123: {  	[sflag:s9] =	ssyncset.done $0x0  }
0x124: {  	[sflag:s9] =	ssyncadd.s32 $0xFFFFF800  }
0x125: {  	_ =	sfence.sel $0x180000  }
0x126: {  	[bflag:$0x0] =	sbarrier.arrive $0xFFFF  }
0x127: {  	p0 =	sne.s32 s1, $0x0;
	_ =	strace $0x90000047  }
0x128: {  	s0 =	sadd.s32 @!p0 $0x100000, s0;
	[bflag:$0x2] =	sbarrier.arrive $0xFFFF  }
0x129: {  	[sflag:s0] =	ssyncadd.tile.s32 @!p0 $0x1;
	_ =	shalt  }
.Lfunc_end2:
_tile_overlayer_lowered:
.L_overlay_start_2:
0x12a: {  	(tag) =	ssettag $0x2  }
0x12b: {  	s0 =	rddreg [dreg:$0x0];
	s2 =	stileid.u32  }
0x12c: {  	s1 =	rddreg [dreg:$0x1];
	p0 =	sne.s32 s2, $0x0  }
0x12d: {  	s3 =	rddreg [dreg:$0x2];
	[bflag:$0x3] =	sbarrier.arrive $0xFFFF;
	s2 =	simm.s32 @!p0 $0x1C01  }
0x12e: {  	[timem:s3], [sflag:s2] =	dma.local @!p0 [hbm:s0], s1  }
0x12f: {  	s0 =	simm.s32 @!p0 $0x1  }
0x130: {  	_ =	swait.ge @!p0 [sflag:s0], s1  }
0x131: {  	s1 =	ssub.s32 @!p0 $0x0, s1;
	[sflag:s0] =	ssyncset.done @!p0 $0x0  }
0x132: {  	[sflag:s0] =	ssyncadd.s32 @!p0 s1  }
0x133: {  	[bflag:$0x3] =	sbarrier.arrive $0xFFFF  }
0x134: {  	_ =	shalt  }

</sc_bundles>
